<compile_context>
chip_gen: v7x
topology: tpu7x:2x2x1
jax: 0.10.2.dev20260603
libtpu: 0.0.44.dev20260713+nightly
codegen_flags: <defaults>
</compile_context>

<pallas_src>
import functools

import jax
import jax.numpy as jnp
from jax import lax
from jax.experimental import pallas as pl
from jax.experimental.pallas import tpu as pltpu
from jax.experimental.pallas import tpu_sc as plsc

_NW = 32
_B = 80
_L = 16


def kernel(X):
    M, N = X.shape
    nblocks = M // _B
    iters = -(-nblocks // _NW)
    mesh = plsc.VectorSubcoreMesh(core_axis_name="c", subcore_axis_name="s")

    @functools.partial(
        pl.kernel,
        mesh=mesh,
        out_type=[
            jax.ShapeDtypeStruct((M, 160), X.dtype),
            jax.ShapeDtypeStruct((M, 160), X.dtype),
        ],
        scratch_types=[
            pltpu.VMEM((2, _B, 256), jnp.float32),
            pltpu.VMEM((2, _B, 160), jnp.float32),
            pltpu.VMEM((2, _B, 160), jnp.float32),
            pltpu.SemaphoreType.DMA,
            pltpu.SemaphoreType.DMA,
            pltpu.SemaphoreType.DMA,
            pltpu.SemaphoreType.DMA,
        ],
    )
    def run(x_hbm, p0_hbm, p1_hbm, bufX, bufP0, bufP1,
            s_in0, s_in1, s_out0, s_out1):
        wid = lax.axis_index("s") * 2 + lax.axis_index("c")

        def blk(i):
            return wid + i * _NW

        def rows_of(b):
            return pl.ds(b * _B, _B)

        def in_copy(slot, b):
            sem = s_in1 if slot else s_in0
            return pltpu.make_async_copy(
                x_hbm.at[rows_of(b)], bufX.at[slot], sem)

        def out_copies(slot, b):
            sem = s_out1 if slot else s_out0
            rows = rows_of(b)
            return (
                pltpu.make_async_copy(bufP0.at[slot], p0_hbm.at[rows], sem),
                pltpu.make_async_copy(bufP1.at[slot], p1_hbm.at[rows], sem),
            )

        def compute(slot, b):
            @plsc.parallel_loop(0, _B, 1, unroll=8)
            def _rot(row):
                v = [bufX[slot, row, pl.ds(k * _L, _L)] for k in range(16)]
                for k in range(10):
                    bufP0[slot, row, pl.ds(k * _L, _L)] = v[k]
                for k in range(10):
                    bufP1[slot, row, pl.ds(k * _L, _L)] = v[6 + k]

        def guarded(i, slot, f):
            b = blk(i)

            @pl.when(jnp.logical_and(i >= 0, b < nblocks))
            def _():
                f(slot, b)

        def body(k, carry):
            for par in (0, 1):
                i = 2 * k + par
                guarded(i, par, lambda s, b: in_copy(s, b).wait())
                guarded(i - 2, par,
                        lambda s, b: [c.wait() for c in out_copies(s, b)])
                guarded(i, par, compute)
                guarded(i, par,
                        lambda s, b: [c.start() for c in out_copies(s, b)])
                guarded(i + 2, par, lambda s, b: in_copy(s, b).start())
            return carry

        guarded(0, 0, lambda s, b: in_copy(s, b).start())
        guarded(1, 1, lambda s, b: in_copy(s, b).start())
        lax.fori_loop(0, iters // 2, body, 0)
        guarded(iters - 2, (iters - 2) % 2,
                lambda s, b: [c.wait() for c in out_copies(s, b)])
        guarded(iters - 1, (iters - 1) % 2,
                lambda s, b: [c.wait() for c in out_copies(s, b)])

    p0, p1 = run(X)
    return (p0, p1)

# --- scband reference (transcript-rebuilt; emitter-appended) ---
"""Pipeline reference for scband-feature-set-projector-6227702579498 (READ-ONLY COPY).

The authoritative reference and input builder live on the scoring server;
editing this copy changes nothing except your own understanding.
"""

import jax, jax.numpy as jnp
import numpy as np

# Feature set column indices (buffers derived from init_kwargs feature_set_indices)
IDX0 = np.arange(0, 160, dtype=np.int64)
IDX1 = np.arange(96, 256, dtype=np.int64)


def setup_inputs(seed: int = 0) -> dict:
    key = jax.random.key(seed)
    X = jax.random.normal(key, (100000, 256), dtype=jnp.float32)
    return {"X": X}


def reference(X):
    # Faithful translation of FeatureSetProjector.forward:
    # parts[i] = X.index_select(dim=1, index=idx_i)
    idx0 = jnp.asarray(IDX0)
    idx1 = jnp.asarray(IDX1)
    p0 = jnp.take(X, idx0, axis=1)
    p1 = jnp.take(X, idx1, axis=1)
    return (p0, p1)

if __name__ == "__main__":
    import jax
    _d = setup_inputs()
    print(jax.jit(kernel)(*tuple(_d.values())))

</pallas_src>

<mosaic_0001>
#map = affine_map<(d0, d1) -> (0, 0)>
module attributes {stable_mosaic.version = 14 : i64} {
  func.func @run(%arg0: i32, %arg1: i32, %arg2: memref<100000x256xf32, #tpu.memory_space<hbm>>, %arg3: memref<100000x160xf32, #tpu.memory_space<hbm>>, %arg4: memref<100000x160xf32, #tpu.memory_space<hbm>>, %arg5: memref<2x80x256xf32, #tpu.memory_space<vmem>>, %arg6: memref<2x80x160xf32, #tpu.memory_space<vmem>>, %arg7: memref<2x80x160xf32, #tpu.memory_space<vmem>>, %arg8: memref<!tpu.dma_semaphore, #tpu.memory_space<semaphore_mem>>, %arg9: memref<!tpu.dma_semaphore, #tpu.memory_space<semaphore_mem>>, %arg10: memref<!tpu.dma_semaphore, #tpu.memory_space<semaphore_mem>>, %arg11: memref<!tpu.dma_semaphore, #tpu.memory_space<semaphore_mem>>) attributes {dimension_semantics = [#tpu.dimension_semantics<core_parallel>, #tpu.dimension_semantics<subcore_parallel>], iteration_bounds = array<i64: 2, 16>, scalar_prefetch = 0 : i64, scratch_operands = 7 : i64, tpu.core_type = #tpu.core_type<sc_vector_subcore>, window_params = [{transform_indices = #map}, {transform_indices = #map}, {transform_indices = #map}]} {
    %mul3A = arith.constant 2 : i32
    %mul3A_0 = arith.muli %arg1, %mul3A : i32
    %add3A = arith.addi %mul3A_0, %arg0 : i32
    %add3A_1 = arith.constant 0 : i32
    %add3A_2 = arith.addi %add3A, %add3A_1 : i32
    %lt3A = arith.constant 1250 : i32
    %lt3A_3 = arith.cmpi slt, %add3A_2, %lt3A : i32
    %and3A = arith.constant true
    %and3A_4 = arith.andi %and3A, %lt3A_3 : i1
    %convert_element_type3A = arith.extui %and3A_4 : i1 to i32
    %cond3A = arith.constant 0 : i32
    %cond3A_5 = arith.cmpi ne, %convert_element_type3A, %cond3A : i32
    scf.if %cond3A_5 {
      %mul3A_38 = arith.constant 80 : i32
      %mul3A_39 = arith.muli %add3A_2, %mul3A_38 : i32
      %dma_start3A = arith.constant 0 : i32
      %dma_start3A_40 = arith.constant 0 : i32
      %dma_start3A_41 = arith.constant 0 : i32
      %dma_start3A_42 = tpu.memref_slice %arg5[%dma_start3A, %dma_start3A_40, %dma_start3A_41] : memref<2x80x256xf32, #tpu.memory_space<vmem>> -> memref<1x80x256xf32, #tpu.memory_space<vmem>>
      %dma_start3A_43 = tpu.memref_squeeze %dma_start3A_42 : memref<1x80x256xf32, #tpu.memory_space<vmem>> -> memref<80x256xf32, #tpu.memory_space<vmem>>
      %dma_start3A_44 = arith.constant 0 : i32
      %dma_start3A_45 = tpu.memref_slice %arg2[%mul3A_39, %dma_start3A_44] : memref<100000x256xf32, #tpu.memory_space<hbm>> -> memref<80x256xf32, #tpu.memory_space<hbm>>
      %dma_start3A_46 = arith.constant 0 : i32
      %dma_start3A_47 = arith.constant 0 : i32
      %dma_start3A_48 = tpu.memref_slice %arg5[%dma_start3A, %dma_start3A_46, %dma_start3A_47] : memref<2x80x256xf32, #tpu.memory_space<vmem>> -> memref<1x80x256xf32, #tpu.memory_space<vmem>>
      %dma_start3A_49 = tpu.memref_squeeze %dma_start3A_48 : memref<1x80x256xf32, #tpu.memory_space<vmem>> -> memref<80x256xf32, #tpu.memory_space<vmem>>
      %dma_start3A_50 = arith.constant 0 : i32
      %dma_start3A_51 = tpu.memref_slice %arg2[%mul3A_39, %dma_start3A_50] : memref<100000x256xf32, #tpu.memory_space<hbm>> -> memref<80x256xf32, #tpu.memory_space<hbm>>
      tpu.enqueue_dma source(%dma_start3A_51 : memref<80x256xf32, #tpu.memory_space<hbm>>) target(%dma_start3A_49 : memref<80x256xf32, #tpu.memory_space<vmem>>) target_semaphore(%arg8 : memref<!tpu.dma_semaphore, #tpu.memory_space<semaphore_mem>>)
    } else {
    }
    %add3A_6 = arith.constant 32 : i32
    %add3A_7 = arith.addi %add3A, %add3A_6 : i32
    %lt3A_8 = arith.constant 1250 : i32
    %lt3A_9 = arith.cmpi slt, %add3A_7, %lt3A_8 : i32
    %and3A_10 = arith.constant true
    %and3A_11 = arith.andi %and3A_10, %lt3A_9 : i1
    %convert_element_type3A_12 = arith.extui %and3A_11 : i1 to i32
    %cond3A_13 = arith.constant 0 : i32
    %cond3A_14 = arith.cmpi ne, %convert_element_type3A_12, %cond3A_13 : i32
    scf.if %cond3A_14 {
      %mul3A_38 = arith.constant 80 : i32
      %mul3A_39 = arith.muli %add3A_7, %mul3A_38 : i32
      %dma_start3A = arith.constant 1 : i32
      %dma_start3A_40 = arith.constant 0 : i32
      %dma_start3A_41 = arith.constant 0 : i32
      %dma_start3A_42 = tpu.memref_slice %arg5[%dma_start3A, %dma_start3A_40, %dma_start3A_41] : memref<2x80x256xf32, #tpu.memory_space<vmem>> -> memref<1x80x256xf32, #tpu.memory_space<vmem>>
      %dma_start3A_43 = tpu.memref_squeeze %dma_start3A_42 : memref<1x80x256xf32, #tpu.memory_space<vmem>> -> memref<80x256xf32, #tpu.memory_space<vmem>>
      %dma_start3A_44 = arith.constant 0 : i32
      %dma_start3A_45 = tpu.memref_slice %arg2[%mul3A_39, %dma_start3A_44] : memref<100000x256xf32, #tpu.memory_space<hbm>> -> memref<80x256xf32, #tpu.memory_space<hbm>>
      %dma_start3A_46 = arith.constant 0 : i32
      %dma_start3A_47 = arith.constant 0 : i32
      %dma_start3A_48 = tpu.memref_slice %arg5[%dma_start3A, %dma_start3A_46, %dma_start3A_47] : memref<2x80x256xf32, #tpu.memory_space<vmem>> -> memref<1x80x256xf32, #tpu.memory_space<vmem>>
      %dma_start3A_49 = tpu.memref_squeeze %dma_start3A_48 : memref<1x80x256xf32, #tpu.memory_space<vmem>> -> memref<80x256xf32, #tpu.memory_space<vmem>>
      %dma_start3A_50 = arith.constant 0 : i32
      %dma_start3A_51 = tpu.memref_slice %arg2[%mul3A_39, %dma_start3A_50] : memref<100000x256xf32, #tpu.memory_space<hbm>> -> memref<80x256xf32, #tpu.memory_space<hbm>>
      tpu.enqueue_dma source(%dma_start3A_51 : memref<80x256xf32, #tpu.memory_space<hbm>>) target(%dma_start3A_49 : memref<80x256xf32, #tpu.memory_space<vmem>>) target_semaphore(%arg9 : memref<!tpu.dma_semaphore, #tpu.memory_space<semaphore_mem>>)
    } else {
    }
    %scan3A = arith.constant 0 : i32
    %scan3A_15 = arith.constant 0 : i32
    %scan3A_16 = arith.constant 20 : i32
    %scan3A_17 = arith.addi %scan3A_15, %scan3A_16 : i32
    %scan3A_18 = arith.constant 1 : i32
    scf.for %scan3A_38 = %scan3A_15 to %scan3A_17 step %scan3A_18  : i32 {
      %mul3A_39 = arith.constant 2 : i32
      %mul3A_40 = arith.muli %mul3A_39, %scan3A_38 : i32
      %add3A_41 = arith.constant 0 : i32
      %add3A_42 = arith.addi %mul3A_40, %add3A_41 : i32
      %mul3A_43 = arith.constant 32 : i32
      %mul3A_44 = arith.muli %add3A_42, %mul3A_43 : i32
      %add3A_45 = arith.addi %add3A, %mul3A_44 : i32
      %ge3A = arith.constant 0 : i32
      %ge3A_46 = arith.cmpi sge, %add3A_42, %ge3A : i32
      %lt3A_47 = arith.constant 1250 : i32
      %lt3A_48 = arith.cmpi slt, %add3A_45, %lt3A_47 : i32
      %and3A_49 = arith.andi %ge3A_46, %lt3A_48 : i1
      %convert_element_type3A_50 = arith.extui %and3A_49 : i1 to i32
      %cond3A_51 = arith.constant 0 : i32
      %cond3A_52 = arith.cmpi ne, %convert_element_type3A_50, %cond3A_51 : i32
      scf.if %cond3A_52 {
        %mul3A_163 = arith.constant 80 : i32
        %mul3A_164 = arith.muli %add3A_45, %mul3A_163 : i32
        %dma_wait3A = arith.constant 0 : i32
        %dma_wait3A_165 = arith.constant 0 : i32
        %dma_wait3A_166 = arith.constant 0 : i32
        %dma_wait3A_167 = tpu.memref_slice %arg5[%dma_wait3A, %dma_wait3A_165, %dma_wait3A_166] : memref<2x80x256xf32, #tpu.memory_space<vmem>> -> memref<1x80x256xf32, #tpu.memory_space<vmem>>
        %dma_wait3A_168 = tpu.memref_squeeze %dma_wait3A_167 : memref<1x80x256xf32, #tpu.memory_space<vmem>> -> memref<80x256xf32, #tpu.memory_space<vmem>>
        %dma_wait3A_169 = arith.constant 0 : i32
        %dma_wait3A_170 = tpu.memref_slice %arg2[%mul3A_164, %dma_wait3A_169] : memref<100000x256xf32, #tpu.memory_space<hbm>> -> memref<80x256xf32, #tpu.memory_space<hbm>>
        %dma_wait3A_171 = arith.constant 0 : i32
        %dma_wait3A_172 = arith.constant 0 : i32
        %dma_wait3A_173 = tpu.memref_slice %arg5[%dma_wait3A, %dma_wait3A_171, %dma_wait3A_172] : memref<2x80x256xf32, #tpu.memory_space<vmem>> -> memref<1x80x256xf32, #tpu.memory_space<vmem>>
        %dma_wait3A_174 = tpu.memref_squeeze %dma_wait3A_173 : memref<1x80x256xf32, #tpu.memory_space<vmem>> -> memref<80x256xf32, #tpu.memory_space<vmem>>
        %dma_wait3A_175 = arith.constant 0 : i32
        %dma_wait3A_176 = tpu.memref_slice %arg2[%mul3A_164, %dma_wait3A_175] : memref<100000x256xf32, #tpu.memory_space<hbm>> -> memref<80x256xf32, #tpu.memory_space<hbm>>
        tpu.wait_dma2 semaphore(%arg8 : memref<!tpu.dma_semaphore, #tpu.memory_space<semaphore_mem>>) src(%dma_wait3A_176 : memref<80x256xf32, #tpu.memory_space<hbm>>) dst(%dma_wait3A_174 : memref<80x256xf32, #tpu.memory_space<vmem>>)
      } else {
      }
      %sub3A = arith.constant 2 : i32
      %sub3A_53 = arith.subi %add3A_42, %sub3A : i32
      %mul3A_54 = arith.constant 32 : i32
      %mul3A_55 = arith.muli %sub3A_53, %mul3A_54 : i32
      %add3A_56 = arith.addi %add3A, %mul3A_55 : i32
      %ge3A_57 = arith.constant 0 : i32
      %ge3A_58 = arith.cmpi sge, %sub3A_53, %ge3A_57 : i32
      %lt3A_59 = arith.constant 1250 : i32
      %lt3A_60 = arith.cmpi slt, %add3A_56, %lt3A_59 : i32
      %and3A_61 = arith.andi %ge3A_58, %lt3A_60 : i1
      %convert_element_type3A_62 = arith.extui %and3A_61 : i1 to i32
      %cond3A_63 = arith.constant 0 : i32
      %cond3A_64 = arith.cmpi ne, %convert_element_type3A_62, %cond3A_63 : i32
      scf.if %cond3A_64 {
        %mul3A_163 = arith.constant 80 : i32
        %mul3A_164 = arith.muli %add3A_56, %mul3A_163 : i32
        %dma_wait3A = arith.constant 0 : i32
        %dma_wait3A_165 = arith.constant 0 : i32
        %dma_wait3A_166 = arith.constant 0 : i32
        %dma_wait3A_167 = tpu.memref_slice %arg6[%dma_wait3A, %dma_wait3A_165, %dma_wait3A_166] : memref<2x80x160xf32, #tpu.memory_space<vmem>> -> memref<1x80x160xf32, #tpu.memory_space<vmem>>
        %dma_wait3A_168 = tpu.memref_squeeze %dma_wait3A_167 : memref<1x80x160xf32, #tpu.memory_space<vmem>> -> memref<80x160xf32, #tpu.memory_space<vmem>>
        %dma_wait3A_169 = arith.constant 0 : i32
        %dma_wait3A_170 = tpu.memref_slice %arg3[%mul3A_164, %dma_wait3A_169] : memref<100000x160xf32, #tpu.memory_space<hbm>> -> memref<80x160xf32, #tpu.memory_space<hbm>>
        %dma_wait3A_171 = arith.constant 0 : i32
        %dma_wait3A_172 = tpu.memref_slice %arg3[%mul3A_164, %dma_wait3A_171] : memref<100000x160xf32, #tpu.memory_space<hbm>> -> memref<80x160xf32, #tpu.memory_space<hbm>>
        %dma_wait3A_173 = arith.constant 0 : i32
        %dma_wait3A_174 = arith.constant 0 : i32
        %dma_wait3A_175 = tpu.memref_slice %arg6[%dma_wait3A, %dma_wait3A_173, %dma_wait3A_174] : memref<2x80x160xf32, #tpu.memory_space<vmem>> -> memref<1x80x160xf32, #tpu.memory_space<vmem>>
        %dma_wait3A_176 = tpu.memref_squeeze %dma_wait3A_175 : memref<1x80x160xf32, #tpu.memory_space<vmem>> -> memref<80x160xf32, #tpu.memory_space<vmem>>
        tpu.wait_dma2 semaphore(%arg10 : memref<!tpu.dma_semaphore, #tpu.memory_space<semaphore_mem>>) src(%dma_wait3A_176 : memref<80x160xf32, #tpu.memory_space<vmem>>) dst(%dma_wait3A_172 : memref<80x160xf32, #tpu.memory_space<hbm>>)
        %dma_wait3A_177 = arith.constant 0 : i32
        %dma_wait3A_178 = arith.constant 0 : i32
        %dma_wait3A_179 = arith.constant 0 : i32
        %dma_wait3A_180 = tpu.memref_slice %arg7[%dma_wait3A_177, %dma_wait3A_178, %dma_wait3A_179] : memref<2x80x160xf32, #tpu.memory_space<vmem>> -> memref<1x80x160xf32, #tpu.memory_space<vmem>>
        %dma_wait3A_181 = tpu.memref_squeeze %dma_wait3A_180 : memref<1x80x160xf32, #tpu.memory_space<vmem>> -> memref<80x160xf32, #tpu.memory_space<vmem>>
        %dma_wait3A_182 = arith.constant 0 : i32
        %dma_wait3A_183 = tpu.memref_slice %arg4[%mul3A_164, %dma_wait3A_182] : memref<100000x160xf32, #tpu.memory_space<hbm>> -> memref<80x160xf32, #tpu.memory_space<hbm>>
        %dma_wait3A_184 = arith.constant 0 : i32
        %dma_wait3A_185 = tpu.memref_slice %arg4[%mul3A_164, %dma_wait3A_184] : memref<100000x160xf32, #tpu.memory_space<hbm>> -> memref<80x160xf32, #tpu.memory_space<hbm>>
        %dma_wait3A_186 = arith.constant 0 : i32
        %dma_wait3A_187 = arith.constant 0 : i32
        %dma_wait3A_188 = tpu.memref_slice %arg7[%dma_wait3A_177, %dma_wait3A_186, %dma_wait3A_187] : memref<2x80x160xf32, #tpu.memory_space<vmem>> -> memref<1x80x160xf32, #tpu.memory_space<vmem>>
        %dma_wait3A_189 = tpu.memref_squeeze %dma_wait3A_188 : memref<1x80x160xf32, #tpu.memory_space<vmem>> -> memref<80x160xf32, #tpu.memory_space<vmem>>
        tpu.wait_dma2 semaphore(%arg10 : memref<!tpu.dma_semaphore, #tpu.memory_space<semaphore_mem>>) src(%dma_wait3A_189 : memref<80x160xf32, #tpu.memory_space<vmem>>) dst(%dma_wait3A_185 : memref<80x160xf32, #tpu.memory_space<hbm>>)
      } else {
      }
      %mul3A_65 = arith.constant 32 : i32
      %mul3A_66 = arith.muli %add3A_42, %mul3A_65 : i32
      %add3A_67 = arith.addi %add3A, %mul3A_66 : i32
      %ge3A_68 = arith.constant 0 : i32
      %ge3A_69 = arith.cmpi sge, %add3A_42, %ge3A_68 : i32
      %lt3A_70 = arith.constant 1250 : i32
      %lt3A_71 = arith.cmpi slt, %add3A_67, %lt3A_70 : i32
      %and3A_72 = arith.andi %ge3A_69, %lt3A_71 : i1
      %convert_element_type3A_73 = arith.extui %and3A_72 : i1 to i32
      %cond3A_74 = arith.constant 0 : i32
      %cond3A_75 = arith.cmpi ne, %convert_element_type3A_73, %cond3A_74 : i32
      scf.if %cond3A_75 {
        %parallel_loop3A = arith.constant 0 : i32
        %parallel_loop3A_163 = arith.constant 80 : i32
        %parallel_loop3A_164 = arith.constant 1 : i32
        scf.for %parallel_loop3A_165 = %parallel_loop3A to %parallel_loop3A_163 step %parallel_loop3A_164  : i32 {
          %parallel_loop3A_166 = arith.constant 0 : i32
          %parallel_loop3A_167 = arith.index_cast %parallel_loop3A_166 : i32 to index
          %parallel_loop3A_168 = arith.index_cast %parallel_loop3A_165 : i32 to index
          %parallel_loop3A_169 = arith.constant 0 : index
          %parallel_loop3A_170 = tpu.vector_load %arg5[%parallel_loop3A_167, %parallel_loop3A_168, %parallel_loop3A_169] {strides = array<i32>} : memref<2x80x256xf32, #tpu.memory_space<vmem>>, vector<1x1x16xf32>,
          %parallel_loop3A_171 = vector.shape_cast %parallel_loop3A_170 : vector<1x1x16xf32> to vector<16xf32>
          %parallel_loop3A_172 = arith.constant 0 : i32
          %parallel_loop3A_173 = arith.index_cast %parallel_loop3A_172 : i32 to index
          %parallel_loop3A_174 = arith.index_cast %parallel_loop3A_165 : i32 to index
          %parallel_loop3A_175 = arith.constant 16 : index
          %parallel_loop3A_176 = tpu.vector_load %arg5[%parallel_loop3A_173, %parallel_loop3A_174, %parallel_loop3A_175] {strides = array<i32>} : memref<2x80x256xf32, #tpu.memory_space<vmem>>, vector<1x1x16xf32>,
          %parallel_loop3A_177 = vector.shape_cast %parallel_loop3A_176 : vector<1x1x16xf32> to vector<16xf32>
          %parallel_loop3A_178 = arith.constant 0 : i32
          %parallel_loop3A_179 = arith.index_cast %parallel_loop3A_178 : i32 to index
          %parallel_loop3A_180 = arith.index_cast %parallel_loop3A_165 : i32 to index
          %parallel_loop3A_181 = arith.constant 32 : index
          %parallel_loop3A_182 = tpu.vector_load %arg5[%parallel_loop3A_179, %parallel_loop3A_180, %parallel_loop3A_181] {strides = array<i32>} : memref<2x80x256xf32, #tpu.memory_space<vmem>>, vector<1x1x16xf32>,
          %parallel_loop3A_183 = vector.shape_cast %parallel_loop3A_182 : vector<1x1x16xf32> to vector<16xf32>
          %parallel_loop3A_184 = arith.constant 0 : i32
          %parallel_loop3A_185 = arith.index_cast %parallel_loop3A_184 : i32 to index
          %parallel_loop3A_186 = arith.index_cast %parallel_loop3A_165 : i32 to index
          %parallel_loop3A_187 = arith.constant 48 : index
          %parallel_loop3A_188 = tpu.vector_load %arg5[%parallel_loop3A_185, %parallel_loop3A_186, %parallel_loop3A_187] {strides = array<i32>} : memref<2x80x256xf32, #tpu.memory_space<vmem>>, vector<1x1x16xf32>,
          %parallel_loop3A_189 = vector.shape_cast %parallel_loop3A_188 : vector<1x1x16xf32> to vector<16xf32>
          %parallel_loop3A_190 = arith.constant 0 : i32
          %parallel_loop3A_191 = arith.index_cast %parallel_loop3A_190 : i32 to index
          %parallel_loop3A_192 = arith.index_cast %parallel_loop3A_165 : i32 to index
          %parallel_loop3A_193 = arith.constant 64 : index
          %parallel_loop3A_194 = tpu.vector_load %arg5[%parallel_loop3A_191, %parallel_loop3A_192, %parallel_loop3A_193] {strides = array<i32>} : memref<2x80x256xf32, #tpu.memory_space<vmem>>, vector<1x1x16xf32>,
          %parallel_loop3A_195 = vector.shape_cast %parallel_loop3A_194 : vector<1x1x16xf32> to vector<16xf32>
          %parallel_loop3A_196 = arith.constant 0 : i32
          %parallel_loop3A_197 = arith.index_cast %parallel_loop3A_196 : i32 to index
          %parallel_loop3A_198 = arith.index_cast %parallel_loop3A_165 : i32 to index
          %parallel_loop3A_199 = arith.constant 80 : index
          %parallel_loop3A_200 = tpu.vector_load %arg5[%parallel_loop3A_197, %parallel_loop3A_198, %parallel_loop3A_199] {strides = array<i32>} : memref<2x80x256xf32, #tpu.memory_space<vmem>>, vector<1x1x16xf32>,
          %parallel_loop3A_201 = vector.shape_cast %parallel_loop3A_200 : vector<1x1x16xf32> to vector<16xf32>
          %parallel_loop3A_202 = arith.constant 0 : i32
          %parallel_loop3A_203 = arith.index_cast %parallel_loop3A_202 : i32 to index
          %parallel_loop3A_204 = arith.index_cast %parallel_loop3A_165 : i32 to index
          %parallel_loop3A_205 = arith.constant 96 : index
          %parallel_loop3A_206 = tpu.vector_load %arg5[%parallel_loop3A_203, %parallel_loop3A_204, %parallel_loop3A_205] {strides = array<i32>} : memref<2x80x256xf32, #tpu.memory_space<vmem>>, vector<1x1x16xf32>,
          %parallel_loop3A_207 = vector.shape_cast %parallel_loop3A_206 : vector<1x1x16xf32> to vector<16xf32>
          %parallel_loop3A_208 = arith.constant 0 : i32
          %parallel_loop3A_209 = arith.index_cast %parallel_loop3A_208 : i32 to index
          %parallel_loop3A_210 = arith.index_cast %parallel_loop3A_165 : i32 to index
          %parallel_loop3A_211 = arith.constant 112 : index
          %parallel_loop3A_212 = tpu.vector_load %arg5[%parallel_loop3A_209, %parallel_loop3A_210, %parallel_loop3A_211] {strides = array<i32>} : memref<2x80x256xf32, #tpu.memory_space<vmem>>, vector<1x1x16xf32>,
          %parallel_loop3A_213 = vector.shape_cast %parallel_loop3A_212 : vector<1x1x16xf32> to vector<16xf32>
          %parallel_loop3A_214 = arith.constant 0 : i32
          %parallel_loop3A_215 = arith.index_cast %parallel_loop3A_214 : i32 to index
          %parallel_loop3A_216 = arith.index_cast %parallel_loop3A_165 : i32 to index
          %parallel_loop3A_217 = arith.constant 128 : index
          %parallel_loop3A_218 = tpu.vector_load %arg5[%parallel_loop3A_215, %parallel_loop3A_216, %parallel_loop3A_217] {strides = array<i32>} : memref<2x80x256xf32, #tpu.memory_space<vmem>>, vector<1x1x16xf32>,
          %parallel_loop3A_219 = vector.shape_cast %parallel_loop3A_218 : vector<1x1x16xf32> to vector<16xf32>
          %parallel_loop3A_220 = arith.constant 0 : i32
          %parallel_loop3A_221 = arith.index_cast %parallel_loop3A_220 : i32 to index
          %parallel_loop3A_222 = arith.index_cast %parallel_loop3A_165 : i32 to index
          %parallel_loop3A_223 = arith.constant 144 : index
          %parallel_loop3A_224 = tpu.vector_load %arg5[%parallel_loop3A_221, %parallel_loop3A_222, %parallel_loop3A_223] {strides = array<i32>} : memref<2x80x256xf32, #tpu.memory_space<vmem>>, vector<1x1x16xf32>,
          %parallel_loop3A_225 = vector.shape_cast %parallel_loop3A_224 : vector<1x1x16xf32> to vector<16xf32>
          %parallel_loop3A_226 = arith.constant 0 : i32
          %parallel_loop3A_227 = arith.index_cast %parallel_loop3A_226 : i32 to index
          %parallel_loop3A_228 = arith.index_cast %parallel_loop3A_165 : i32 to index
          %parallel_loop3A_229 = arith.constant 160 : index
          %parallel_loop3A_230 = tpu.vector_load %arg5[%parallel_loop3A_227, %parallel_loop3A_228, %parallel_loop3A_229] {strides = array<i32>} : memref<2x80x256xf32, #tpu.memory_space<vmem>>, vector<1x1x16xf32>,
          %parallel_loop3A_231 = vector.shape_cast %parallel_loop3A_230 : vector<1x1x16xf32> to vector<16xf32>
          %parallel_loop3A_232 = arith.constant 0 : i32
          %parallel_loop3A_233 = arith.index_cast %parallel_loop3A_232 : i32 to index
          %parallel_loop3A_234 = arith.index_cast %parallel_loop3A_165 : i32 to index
          %parallel_loop3A_235 = arith.constant 176 : index
          %parallel_loop3A_236 = tpu.vector_load %arg5[%parallel_loop3A_233, %parallel_loop3A_234, %parallel_loop3A_235] {strides = array<i32>} : memref<2x80x256xf32, #tpu.memory_space<vmem>>, vector<1x1x16xf32>,
          %parallel_loop3A_237 = vector.shape_cast %parallel_loop3A_236 : vector<1x1x16xf32> to vector<16xf32>
          %parallel_loop3A_238 = arith.constant 0 : i32
          %parallel_loop3A_239 = arith.index_cast %parallel_loop3A_238 : i32 to index
          %parallel_loop3A_240 = arith.index_cast %parallel_loop3A_165 : i32 to index
          %parallel_loop3A_241 = arith.constant 192 : index
          %parallel_loop3A_242 = tpu.vector_load %arg5[%parallel_loop3A_239, %parallel_loop3A_240, %parallel_loop3A_241] {strides = array<i32>} : memref<2x80x256xf32, #tpu.memory_space<vmem>>, vector<1x1x16xf32>,
          %parallel_loop3A_243 = vector.shape_cast %parallel_loop3A_242 : vector<1x1x16xf32> to vector<16xf32>
          %parallel_loop3A_244 = arith.constant 0 : i32
          %parallel_loop3A_245 = arith.index_cast %parallel_loop3A_244 : i32 to index
          %parallel_loop3A_246 = arith.index_cast %parallel_loop3A_165 : i32 to index
          %parallel_loop3A_247 = arith.constant 208 : index
          %parallel_loop3A_248 = tpu.vector_load %arg5[%parallel_loop3A_245, %parallel_loop3A_246, %parallel_loop3A_247] {strides = array<i32>} : memref<2x80x256xf32, #tpu.memory_space<vmem>>, vector<1x1x16xf32>,
          %parallel_loop3A_249 = vector.shape_cast %parallel_loop3A_248 : vector<1x1x16xf32> to vector<16xf32>
          %parallel_loop3A_250 = arith.constant 0 : i32
          %parallel_loop3A_251 = arith.index_cast %parallel_loop3A_250 : i32 to index
          %parallel_loop3A_252 = arith.index_cast %parallel_loop3A_165 : i32 to index
          %parallel_loop3A_253 = arith.constant 224 : index
          %parallel_loop3A_254 = tpu.vector_load %arg5[%parallel_loop3A_251, %parallel_loop3A_252, %parallel_loop3A_253] {strides = array<i32>} : memref<2x80x256xf32, #tpu.memory_space<vmem>>, vector<1x1x16xf32>,
          %parallel_loop3A_255 = vector.shape_cast %parallel_loop3A_254 : vector<1x1x16xf32> to vector<16xf32>
          %parallel_loop3A_256 = arith.constant 0 : i32
          %parallel_loop3A_257 = arith.index_cast %parallel_loop3A_256 : i32 to index
          %parallel_loop3A_258 = arith.index_cast %parallel_loop3A_165 : i32 to index
          %parallel_loop3A_259 = arith.constant 240 : index
          %parallel_loop3A_260 = tpu.vector_load %arg5[%parallel_loop3A_257, %parallel_loop3A_258, %parallel_loop3A_259] {strides = array<i32>} : memref<2x80x256xf32, #tpu.memory_space<vmem>>, vector<1x1x16xf32>,
          %parallel_loop3A_261 = vector.shape_cast %parallel_loop3A_260 : vector<1x1x16xf32> to vector<16xf32>
          %parallel_loop3A_262 = arith.constant 0 : i32
          %parallel_loop3A_263 = arith.index_cast %parallel_loop3A_262 : i32 to index
          %parallel_loop3A_264 = arith.index_cast %parallel_loop3A_165 : i32 to index
          %parallel_loop3A_265 = arith.constant 0 : index
          %parallel_loop3A_266 = tpu.vector_load %arg6[%parallel_loop3A_263, %parallel_loop3A_264, %parallel_loop3A_265] {strides = array<i32>} : memref<2x80x160xf32, #tpu.memory_space<vmem>>, vector<1x1x16xf32>,
          %parallel_loop3A_267 = vector.shape_cast %parallel_loop3A_266 : vector<1x1x16xf32> to vector<16xf32>
          %parallel_loop3A_268 = vector.shape_cast %parallel_loop3A_171 : vector<16xf32> to vector<1x1x16xf32>
          tpu.vector_store %arg6[%parallel_loop3A_263, %parallel_loop3A_264, %parallel_loop3A_265], %parallel_loop3A_268 {strides = array<i32>} : memref<2x80x160xf32, #tpu.memory_space<vmem>>, vector<1x1x16xf32>,
          %parallel_loop3A_269 = arith.constant 0 : i32
          %parallel_loop3A_270 = arith.index_cast %parallel_loop3A_269 : i32 to index
          %parallel_loop3A_271 = arith.index_cast %parallel_loop3A_165 : i32 to index
          %parallel_loop3A_272 = arith.constant 16 : index
          %parallel_loop3A_273 = tpu.vector_load %arg6[%parallel_loop3A_270, %parallel_loop3A_271, %parallel_loop3A_272] {strides = array<i32>} : memref<2x80x160xf32, #tpu.memory_space<vmem>>, vector<1x1x16xf32>,
          %parallel_loop3A_274 = vector.shape_cast %parallel_loop3A_273 : vector<1x1x16xf32> to vector<16xf32>
          %parallel_loop3A_275 = vector.shape_cast %parallel_loop3A_177 : vector<16xf32> to vector<1x1x16xf32>
          tpu.vector_store %arg6[%parallel_loop3A_270, %parallel_loop3A_271, %parallel_loop3A_272], %parallel_loop3A_275 {strides = array<i32>} : memref<2x80x160xf32, #tpu.memory_space<vmem>>, vector<1x1x16xf32>,
          %parallel_loop3A_276 = arith.constant 0 : i32
          %parallel_loop3A_277 = arith.index_cast %parallel_loop3A_276 : i32 to index
          %parallel_loop3A_278 = arith.index_cast %parallel_loop3A_165 : i32 to index
          %parallel_loop3A_279 = arith.constant 32 : index
          %parallel_loop3A_280 = tpu.vector_load %arg6[%parallel_loop3A_277, %parallel_loop3A_278, %parallel_loop3A_279] {strides = array<i32>} : memref<2x80x160xf32, #tpu.memory_space<vmem>>, vector<1x1x16xf32>,
          %parallel_loop3A_281 = vector.shape_cast %parallel_loop3A_280 : vector<1x1x16xf32> to vector<16xf32>
          %parallel_loop3A_282 = vector.shape_cast %parallel_loop3A_183 : vector<16xf32> to vector<1x1x16xf32>
          tpu.vector_store %arg6[%parallel_loop3A_277, %parallel_loop3A_278, %parallel_loop3A_279], %parallel_loop3A_282 {strides = array<i32>} : memref<2x80x160xf32, #tpu.memory_space<vmem>>, vector<1x1x16xf32>,
          %parallel_loop3A_283 = arith.constant 0 : i32
          %parallel_loop3A_284 = arith.index_cast %parallel_loop3A_283 : i32 to index
          %parallel_loop3A_285 = arith.index_cast %parallel_loop3A_165 : i32 to index
          %parallel_loop3A_286 = arith.constant 48 : index
          %parallel_loop3A_287 = tpu.vector_load %arg6[%parallel_loop3A_284, %parallel_loop3A_285, %parallel_loop3A_286] {strides = array<i32>} : memref<2x80x160xf32, #tpu.memory_space<vmem>>, vector<1x1x16xf32>,
          %parallel_loop3A_288 = vector.shape_cast %parallel_loop3A_287 : vector<1x1x16xf32> to vector<16xf32>
          %parallel_loop3A_289 = vector.shape_cast %parallel_loop3A_189 : vector<16xf32> to vector<1x1x16xf32>
          tpu.vector_store %arg6[%parallel_loop3A_284, %parallel_loop3A_285, %parallel_loop3A_286], %parallel_loop3A_289 {strides = array<i32>} : memref<2x80x160xf32, #tpu.memory_space<vmem>>, vector<1x1x16xf32>,
          %parallel_loop3A_290 = arith.constant 0 : i32
          %parallel_loop3A_291 = arith.index_cast %parallel_loop3A_290 : i32 to index
          %parallel_loop3A_292 = arith.index_cast %parallel_loop3A_165 : i32 to index
          %parallel_loop3A_293 = arith.constant 64 : index
          %parallel_loop3A_294 = tpu.vector_load %arg6[%parallel_loop3A_291, %parallel_loop3A_292, %parallel_loop3A_293] {strides = array<i32>} : memref<2x80x160xf32, #tpu.memory_space<vmem>>, vector<1x1x16xf32>,
          %parallel_loop3A_295 = vector.shape_cast %parallel_loop3A_294 : vector<1x1x16xf32> to vector<16xf32>
          %parallel_loop3A_296 = vector.shape_cast %parallel_loop3A_195 : vector<16xf32> to vector<1x1x16xf32>
          tpu.vector_store %arg6[%parallel_loop3A_291, %parallel_loop3A_292, %parallel_loop3A_293], %parallel_loop3A_296 {strides = array<i32>} : memref<2x80x160xf32, #tpu.memory_space<vmem>>, vector<1x1x16xf32>,
          %parallel_loop3A_297 = arith.constant 0 : i32
          %parallel_loop3A_298 = arith.index_cast %parallel_loop3A_297 : i32 to index
          %parallel_loop3A_299 = arith.index_cast %parallel_loop3A_165 : i32 to index
          %parallel_loop3A_300 = arith.constant 80 : index
          %parallel_loop3A_301 = tpu.vector_load %arg6[%parallel_loop3A_298, %parallel_loop3A_299, %parallel_loop3A_300] {strides = array<i32>} : memref<2x80x160xf32, #tpu.memory_space<vmem>>, vector<1x1x16xf32>,
          %parallel_loop3A_302 = vector.shape_cast %parallel_loop3A_301 : vector<1x1x16xf32> to vector<16xf32>
          %parallel_loop3A_303 = vector.shape_cast %parallel_loop3A_201 : vector<16xf32> to vector<1x1x16xf32>
          tpu.vector_store %arg6[%parallel_loop3A_298, %parallel_loop3A_299, %parallel_loop3A_300], %parallel_loop3A_303 {strides = array<i32>} : memref<2x80x160xf32, #tpu.memory_space<vmem>>, vector<1x1x16xf32>,
          %parallel_loop3A_304 = arith.constant 0 : i32
          %parallel_loop3A_305 = arith.index_cast %parallel_loop3A_304 : i32 to index
          %parallel_loop3A_306 = arith.index_cast %parallel_loop3A_165 : i32 to index
          %parallel_loop3A_307 = arith.constant 96 : index
          %parallel_loop3A_308 = tpu.vector_load %arg6[%parallel_loop3A_305, %parallel_loop3A_306, %parallel_loop3A_307] {strides = array<i32>} : memref<2x80x160xf32, #tpu.memory_space<vmem>>, vector<1x1x16xf32>,
          %parallel_loop3A_309 = vector.shape_cast %parallel_loop3A_308 : vector<1x1x16xf32> to vector<16xf32>
          %parallel_loop3A_310 = vector.shape_cast %parallel_loop3A_207 : vector<16xf32> to vector<1x1x16xf32>
          tpu.vector_store %arg6[%parallel_loop3A_305, %parallel_loop3A_306, %parallel_loop3A_307], %parallel_loop3A_310 {strides = array<i32>} : memref<2x80x160xf32, #tpu.memory_space<vmem>>, vector<1x1x16xf32>,
          %parallel_loop3A_311 = arith.constant 0 : i32
          %parallel_loop3A_312 = arith.index_cast %parallel_loop3A_311 : i32 to index
          %parallel_loop3A_313 = arith.index_cast %parallel_loop3A_165 : i32 to index
          %parallel_loop3A_314 = arith.constant 112 : index
          %parallel_loop3A_315 = tpu.vector_load %arg6[%parallel_loop3A_312, %parallel_loop3A_313, %parallel_loop3A_314] {strides = array<i32>} : memref<2x80x160xf32, #tpu.memory_space<vmem>>, vector<1x1x16xf32>,
          %parallel_loop3A_316 = vector.shape_cast %parallel_loop3A_315 : vector<1x1x16xf32> to vector<16xf32>
          %parallel_loop3A_317 = vector.shape_cast %parallel_loop3A_213 : vector<16xf32> to vector<1x1x16xf32>
          tpu.vector_store %arg6[%parallel_loop3A_312, %parallel_loop3A_313, %parallel_loop3A_314], %parallel_loop3A_317 {strides = array<i32>} : memref<2x80x160xf32, #tpu.memory_space<vmem>>, vector<1x1x16xf32>,
          %parallel_loop3A_318 = arith.constant 0 : i32
          %parallel_loop3A_319 = arith.index_cast %parallel_loop3A_318 : i32 to index
          %parallel_loop3A_320 = arith.index_cast %parallel_loop3A_165 : i32 to index
          %parallel_loop3A_321 = arith.constant 128 : index
          %parallel_loop3A_322 = tpu.vector_load %arg6[%parallel_loop3A_319, %parallel_loop3A_320, %parallel_loop3A_321] {strides = array<i32>} : memref<2x80x160xf32, #tpu.memory_space<vmem>>, vector<1x1x16xf32>,
          %parallel_loop3A_323 = vector.shape_cast %parallel_loop3A_322 : vector<1x1x16xf32> to vector<16xf32>
          %parallel_loop3A_324 = vector.shape_cast %parallel_loop3A_219 : vector<16xf32> to vector<1x1x16xf32>
          tpu.vector_store %arg6[%parallel_loop3A_319, %parallel_loop3A_320, %parallel_loop3A_321], %parallel_loop3A_324 {strides = array<i32>} : memref<2x80x160xf32, #tpu.memory_space<vmem>>, vector<1x1x16xf32>,
          %parallel_loop3A_325 = arith.constant 0 : i32
          %parallel_loop3A_326 = arith.index_cast %parallel_loop3A_325 : i32 to index
          %parallel_loop3A_327 = arith.index_cast %parallel_loop3A_165 : i32 to index
          %parallel_loop3A_328 = arith.constant 144 : index
          %parallel_loop3A_329 = tpu.vector_load %arg6[%parallel_loop3A_326, %parallel_loop3A_327, %parallel_loop3A_328] {strides = array<i32>} : memref<2x80x160xf32, #tpu.memory_space<vmem>>, vector<1x1x16xf32>,
          %parallel_loop3A_330 = vector.shape_cast %parallel_loop3A_329 : vector<1x1x16xf32> to vector<16xf32>
          %parallel_loop3A_331 = vector.shape_cast %parallel_loop3A_225 : vector<16xf32> to vector<1x1x16xf32>
          tpu.vector_store %arg6[%parallel_loop3A_326, %parallel_loop3A_327, %parallel_loop3A_328], %parallel_loop3A_331 {strides = array<i32>} : memref<2x80x160xf32, #tpu.memory_space<vmem>>, vector<1x1x16xf32>,
          %parallel_loop3A_332 = arith.constant 0 : i32
          %parallel_loop3A_333 = arith.index_cast %parallel_loop3A_332 : i32 to index
          %parallel_loop3A_334 = arith.index_cast %parallel_loop3A_165 : i32 to index
          %parallel_loop3A_335 = arith.constant 0 : index
          %parallel_loop3A_336 = tpu.vector_load %arg7[%parallel_loop3A_333, %parallel_loop3A_334, %parallel_loop3A_335] {strides = array<i32>} : memref<2x80x160xf32, #tpu.memory_space<vmem>>, vector<1x1x16xf32>,
          %parallel_loop3A_337 = vector.shape_cast %parallel_loop3A_336 : vector<1x1x16xf32> to vector<16xf32>
          %parallel_loop3A_338 = vector.shape_cast %parallel_loop3A_207 : vector<16xf32> to vector<1x1x16xf32>
          tpu.vector_store %arg7[%parallel_loop3A_333, %parallel_loop3A_334, %parallel_loop3A_335], %parallel_loop3A_338 {strides = array<i32>} : memref<2x80x160xf32, #tpu.memory_space<vmem>>, vector<1x1x16xf32>,
          %parallel_loop3A_339 = arith.constant 0 : i32
          %parallel_loop3A_340 = arith.index_cast %parallel_loop3A_339 : i32 to index
          %parallel_loop3A_341 = arith.index_cast %parallel_loop3A_165 : i32 to index
          %parallel_loop3A_342 = arith.constant 16 : index
          %parallel_loop3A_343 = tpu.vector_load %arg7[%parallel_loop3A_340, %parallel_loop3A_341, %parallel_loop3A_342] {strides = array<i32>} : memref<2x80x160xf32, #tpu.memory_space<vmem>>, vector<1x1x16xf32>,
          %parallel_loop3A_344 = vector.shape_cast %parallel_loop3A_343 : vector<1x1x16xf32> to vector<16xf32>
          %parallel_loop3A_345 = vector.shape_cast %parallel_loop3A_213 : vector<16xf32> to vector<1x1x16xf32>
          tpu.vector_store %arg7[%parallel_loop3A_340, %parallel_loop3A_341, %parallel_loop3A_342], %parallel_loop3A_345 {strides = array<i32>} : memref<2x80x160xf32, #tpu.memory_space<vmem>>, vector<1x1x16xf32>,
          %parallel_loop3A_346 = arith.constant 0 : i32
          %parallel_loop3A_347 = arith.index_cast %parallel_loop3A_346 : i32 to index
          %parallel_loop3A_348 = arith.index_cast %parallel_loop3A_165 : i32 to index
          %parallel_loop3A_349 = arith.constant 32 : index
          %parallel_loop3A_350 = tpu.vector_load %arg7[%parallel_loop3A_347, %parallel_loop3A_348, %parallel_loop3A_349] {strides = array<i32>} : memref<2x80x160xf32, #tpu.memory_space<vmem>>, vector<1x1x16xf32>,
          %parallel_loop3A_351 = vector.shape_cast %parallel_loop3A_350 : vector<1x1x16xf32> to vector<16xf32>
          %parallel_loop3A_352 = vector.shape_cast %parallel_loop3A_219 : vector<16xf32> to vector<1x1x16xf32>
          tpu.vector_store %arg7[%parallel_loop3A_347, %parallel_loop3A_348, %parallel_loop3A_349], %parallel_loop3A_352 {strides = array<i32>} : memref<2x80x160xf32, #tpu.memory_space<vmem>>, vector<1x1x16xf32>,
          %parallel_loop3A_353 = arith.constant 0 : i32
          %parallel_loop3A_354 = arith.index_cast %parallel_loop3A_353 : i32 to index
          %parallel_loop3A_355 = arith.index_cast %parallel_loop3A_165 : i32 to index
          %parallel_loop3A_356 = arith.constant 48 : index
          %parallel_loop3A_357 = tpu.vector_load %arg7[%parallel_loop3A_354, %parallel_loop3A_355, %parallel_loop3A_356] {strides = array<i32>} : memref<2x80x160xf32, #tpu.memory_space<vmem>>, vector<1x1x16xf32>,
          %parallel_loop3A_358 = vector.shape_cast %parallel_loop3A_357 : vector<1x1x16xf32> to vector<16xf32>
          %parallel_loop3A_359 = vector.shape_cast %parallel_loop3A_225 : vector<16xf32> to vector<1x1x16xf32>
          tpu.vector_store %arg7[%parallel_loop3A_354, %parallel_loop3A_355, %parallel_loop3A_356], %parallel_loop3A_359 {strides = array<i32>} : memref<2x80x160xf32, #tpu.memory_space<vmem>>, vector<1x1x16xf32>,
          %parallel_loop3A_360 = arith.constant 0 : i32
          %parallel_loop3A_361 = arith.index_cast %parallel_loop3A_360 : i32 to index
          %parallel_loop3A_362 = arith.index_cast %parallel_loop3A_165 : i32 to index
          %parallel_loop3A_363 = arith.constant 64 : index
          %parallel_loop3A_364 = tpu.vector_load %arg7[%parallel_loop3A_361, %parallel_loop3A_362, %parallel_loop3A_363] {strides = array<i32>} : memref<2x80x160xf32, #tpu.memory_space<vmem>>, vector<1x1x16xf32>,
          %parallel_loop3A_365 = vector.shape_cast %parallel_loop3A_364 : vector<1x1x16xf32> to vector<16xf32>
          %parallel_loop3A_366 = vector.shape_cast %parallel_loop3A_231 : vector<16xf32> to vector<1x1x16xf32>
          tpu.vector_store %arg7[%parallel_loop3A_361, %parallel_loop3A_362, %parallel_loop3A_363], %parallel_loop3A_366 {strides = array<i32>} : memref<2x80x160xf32, #tpu.memory_space<vmem>>, vector<1x1x16xf32>,
          %parallel_loop3A_367 = arith.constant 0 : i32
          %parallel_loop3A_368 = arith.index_cast %parallel_loop3A_367 : i32 to index
          %parallel_loop3A_369 = arith.index_cast %parallel_loop3A_165 : i32 to index
          %parallel_loop3A_370 = arith.constant 80 : index
          %parallel_loop3A_371 = tpu.vector_load %arg7[%parallel_loop3A_368, %parallel_loop3A_369, %parallel_loop3A_370] {strides = array<i32>} : memref<2x80x160xf32, #tpu.memory_space<vmem>>, vector<1x1x16xf32>,
          %parallel_loop3A_372 = vector.shape_cast %parallel_loop3A_371 : vector<1x1x16xf32> to vector<16xf32>
          %parallel_loop3A_373 = vector.shape_cast %parallel_loop3A_237 : vector<16xf32> to vector<1x1x16xf32>
          tpu.vector_store %arg7[%parallel_loop3A_368, %parallel_loop3A_369, %parallel_loop3A_370], %parallel_loop3A_373 {strides = array<i32>} : memref<2x80x160xf32, #tpu.memory_space<vmem>>, vector<1x1x16xf32>,
          %parallel_loop3A_374 = arith.constant 0 : i32
          %parallel_loop3A_375 = arith.index_cast %parallel_loop3A_374 : i32 to index
          %parallel_loop3A_376 = arith.index_cast %parallel_loop3A_165 : i32 to index
          %parallel_loop3A_377 = arith.constant 96 : index
          %parallel_loop3A_378 = tpu.vector_load %arg7[%parallel_loop3A_375, %parallel_loop3A_376, %parallel_loop3A_377] {strides = array<i32>} : memref<2x80x160xf32, #tpu.memory_space<vmem>>, vector<1x1x16xf32>,
          %parallel_loop3A_379 = vector.shape_cast %parallel_loop3A_378 : vector<1x1x16xf32> to vector<16xf32>
          %parallel_loop3A_380 = vector.shape_cast %parallel_loop3A_243 : vector<16xf32> to vector<1x1x16xf32>
          tpu.vector_store %arg7[%parallel_loop3A_375, %parallel_loop3A_376, %parallel_loop3A_377], %parallel_loop3A_380 {strides = array<i32>} : memref<2x80x160xf32, #tpu.memory_space<vmem>>, vector<1x1x16xf32>,
          %parallel_loop3A_381 = arith.constant 0 : i32
          %parallel_loop3A_382 = arith.index_cast %parallel_loop3A_381 : i32 to index
          %parallel_loop3A_383 = arith.index_cast %parallel_loop3A_165 : i32 to index
          %parallel_loop3A_384 = arith.constant 112 : index
          %parallel_loop3A_385 = tpu.vector_load %arg7[%parallel_loop3A_382, %parallel_loop3A_383, %parallel_loop3A_384] {strides = array<i32>} : memref<2x80x160xf32, #tpu.memory_space<vmem>>, vector<1x1x16xf32>,
          %parallel_loop3A_386 = vector.shape_cast %parallel_loop3A_385 : vector<1x1x16xf32> to vector<16xf32>
          %parallel_loop3A_387 = vector.shape_cast %parallel_loop3A_249 : vector<16xf32> to vector<1x1x16xf32>
          tpu.vector_store %arg7[%parallel_loop3A_382, %parallel_loop3A_383, %parallel_loop3A_384], %parallel_loop3A_387 {strides = array<i32>} : memref<2x80x160xf32, #tpu.memory_space<vmem>>, vector<1x1x16xf32>,
          %parallel_loop3A_388 = arith.constant 0 : i32
          %parallel_loop3A_389 = arith.index_cast %parallel_loop3A_388 : i32 to index
          %parallel_loop3A_390 = arith.index_cast %parallel_loop3A_165 : i32 to index
          %parallel_loop3A_391 = arith.constant 128 : index
          %parallel_loop3A_392 = tpu.vector_load %arg7[%parallel_loop3A_389, %parallel_loop3A_390, %parallel_loop3A_391] {strides = array<i32>} : memref<2x80x160xf32, #tpu.memory_space<vmem>>, vector<1x1x16xf32>,
          %parallel_loop3A_393 = vector.shape_cast %parallel_loop3A_392 : vector<1x1x16xf32> to vector<16xf32>
          %parallel_loop3A_394 = vector.shape_cast %parallel_loop3A_255 : vector<16xf32> to vector<1x1x16xf32>
          tpu.vector_store %arg7[%parallel_loop3A_389, %parallel_loop3A_390, %parallel_loop3A_391], %parallel_loop3A_394 {strides = array<i32>} : memref<2x80x160xf32, #tpu.memory_space<vmem>>, vector<1x1x16xf32>,
          %parallel_loop3A_395 = arith.constant 0 : i32
          %parallel_loop3A_396 = arith.index_cast %parallel_loop3A_395 : i32 to index
          %parallel_loop3A_397 = arith.index_cast %parallel_loop3A_165 : i32 to index
          %parallel_loop3A_398 = arith.constant 144 : index
          %parallel_loop3A_399 = tpu.vector_load %arg7[%parallel_loop3A_396, %parallel_loop3A_397, %parallel_loop3A_398] {strides = array<i32>} : memref<2x80x160xf32, #tpu.memory_space<vmem>>, vector<1x1x16xf32>,
          %parallel_loop3A_400 = vector.shape_cast %parallel_loop3A_399 : vector<1x1x16xf32> to vector<16xf32>
          %parallel_loop3A_401 = vector.shape_cast %parallel_loop3A_261 : vector<16xf32> to vector<1x1x16xf32>
          tpu.vector_store %arg7[%parallel_loop3A_396, %parallel_loop3A_397, %parallel_loop3A_398], %parallel_loop3A_401 {strides = array<i32>} : memref<2x80x160xf32, #tpu.memory_space<vmem>>, vector<1x1x16xf32>,
        } {sc.loop_unroll_factor = 8 : i64, sc.parallel_access}
      } else {
      }
      %mul3A_76 = arith.constant 32 : i32
      %mul3A_77 = arith.muli %add3A_42, %mul3A_76 : i32
      %add3A_78 = arith.addi %add3A, %mul3A_77 : i32
      %ge3A_79 = arith.constant 0 : i32
      %ge3A_80 = arith.cmpi sge, %add3A_42, %ge3A_79 : i32
      %lt3A_81 = arith.constant 1250 : i32
      %lt3A_82 = arith.cmpi slt, %add3A_78, %lt3A_81 : i32
      %and3A_83 = arith.andi %ge3A_80, %lt3A_82 : i1
      %convert_element_type3A_84 = arith.extui %and3A_83 : i1 to i32
      %cond3A_85 = arith.constant 0 : i32
      %cond3A_86 = arith.cmpi ne, %convert_element_type3A_84, %cond3A_85 : i32
      scf.if %cond3A_86 {
        %mul3A_163 = arith.constant 80 : i32
        %mul3A_164 = arith.muli %add3A_78, %mul3A_163 : i32
        %dma_start3A = arith.constant 0 : i32
        %dma_start3A_165 = arith.constant 0 : i32
        %dma_start3A_166 = arith.constant 0 : i32
        %dma_start3A_167 = tpu.memref_slice %arg6[%dma_start3A, %dma_start3A_165, %dma_start3A_166] : memref<2x80x160xf32, #tpu.memory_space<vmem>> -> memref<1x80x160xf32, #tpu.memory_space<vmem>>
        %dma_start3A_168 = tpu.memref_squeeze %dma_start3A_167 : memref<1x80x160xf32, #tpu.memory_space<vmem>> -> memref<80x160xf32, #tpu.memory_space<vmem>>
        %dma_start3A_169 = arith.constant 0 : i32
        %dma_start3A_170 = tpu.memref_slice %arg3[%mul3A_164, %dma_start3A_169] : memref<100000x160xf32, #tpu.memory_space<hbm>> -> memref<80x160xf32, #tpu.memory_space<hbm>>
        %dma_start3A_171 = arith.constant 0 : i32
        %dma_start3A_172 = tpu.memref_slice %arg3[%mul3A_164, %dma_start3A_171] : memref<100000x160xf32, #tpu.memory_space<hbm>> -> memref<80x160xf32, #tpu.memory_space<hbm>>
        %dma_start3A_173 = arith.constant 0 : i32
        %dma_start3A_174 = arith.constant 0 : i32
        %dma_start3A_175 = tpu.memref_slice %arg6[%dma_start3A, %dma_start3A_173, %dma_start3A_174] : memref<2x80x160xf32, #tpu.memory_space<vmem>> -> memref<1x80x160xf32, #tpu.memory_space<vmem>>
        %dma_start3A_176 = tpu.memref_squeeze %dma_start3A_175 : memref<1x80x160xf32, #tpu.memory_space<vmem>> -> memref<80x160xf32, #tpu.memory_space<vmem>>
        tpu.enqueue_dma source(%dma_start3A_176 : memref<80x160xf32, #tpu.memory_space<vmem>>) target(%dma_start3A_172 : memref<80x160xf32, #tpu.memory_space<hbm>>) target_semaphore(%arg10 : memref<!tpu.dma_semaphore, #tpu.memory_space<semaphore_mem>>)
        %dma_start3A_177 = arith.constant 0 : i32
        %dma_start3A_178 = arith.constant 0 : i32
        %dma_start3A_179 = arith.constant 0 : i32
        %dma_start3A_180 = tpu.memref_slice %arg7[%dma_start3A_177, %dma_start3A_178, %dma_start3A_179] : memref<2x80x160xf32, #tpu.memory_space<vmem>> -> memref<1x80x160xf32, #tpu.memory_space<vmem>>
        %dma_start3A_181 = tpu.memref_squeeze %dma_start3A_180 : memref<1x80x160xf32, #tpu.memory_space<vmem>> -> memref<80x160xf32, #tpu.memory_space<vmem>>
        %dma_start3A_182 = arith.constant 0 : i32
        %dma_start3A_183 = tpu.memref_slice %arg4[%mul3A_164, %dma_start3A_182] : memref<100000x160xf32, #tpu.memory_space<hbm>> -> memref<80x160xf32, #tpu.memory_space<hbm>>
        %dma_start3A_184 = arith.constant 0 : i32
        %dma_start3A_185 = tpu.memref_slice %arg4[%mul3A_164, %dma_start3A_184] : memref<100000x160xf32, #tpu.memory_space<hbm>> -> memref<80x160xf32, #tpu.memory_space<hbm>>
        %dma_start3A_186 = arith.constant 0 : i32
        %dma_start3A_187 = arith.constant 0 : i32
        %dma_start3A_188 = tpu.memref_slice %arg7[%dma_start3A_177, %dma_start3A_186, %dma_start3A_187] : memref<2x80x160xf32, #tpu.memory_space<vmem>> -> memref<1x80x160xf32, #tpu.memory_space<vmem>>
        %dma_start3A_189 = tpu.memref_squeeze %dma_start3A_188 : memref<1x80x160xf32, #tpu.memory_space<vmem>> -> memref<80x160xf32, #tpu.memory_space<vmem>>
        tpu.enqueue_dma source(%dma_start3A_189 : memref<80x160xf32, #tpu.memory_space<vmem>>) target(%dma_start3A_185 : memref<80x160xf32, #tpu.memory_space<hbm>>) target_semaphore(%arg10 : memref<!tpu.dma_semaphore, #tpu.memory_space<semaphore_mem>>)
      } else {
      }
      %add3A_87 = arith.constant 2 : i32
      %add3A_88 = arith.addi %add3A_42, %add3A_87 : i32
      %mul3A_89 = arith.constant 32 : i32
      %mul3A_90 = arith.muli %add3A_88, %mul3A_89 : i32
      %add3A_91 = arith.addi %add3A, %mul3A_90 : i32
      %ge3A_92 = arith.constant 0 : i32
      %ge3A_93 = arith.cmpi sge, %add3A_88, %ge3A_92 : i32
      %lt3A_94 = arith.constant 1250 : i32
      %lt3A_95 = arith.cmpi slt, %add3A_91, %lt3A_94 : i32
      %and3A_96 = arith.andi %ge3A_93, %lt3A_95 : i1
      %convert_element_type3A_97 = arith.extui %and3A_96 : i1 to i32
      %cond3A_98 = arith.constant 0 : i32
      %cond3A_99 = arith.cmpi ne, %convert_element_type3A_97, %cond3A_98 : i32
      scf.if %cond3A_99 {
        %mul3A_163 = arith.constant 80 : i32
        %mul3A_164 = arith.muli %add3A_91, %mul3A_163 : i32
        %dma_start3A = arith.constant 0 : i32
        %dma_start3A_165 = arith.constant 0 : i32
        %dma_start3A_166 = arith.constant 0 : i32
        %dma_start3A_167 = tpu.memref_slice %arg5[%dma_start3A, %dma_start3A_165, %dma_start3A_166] : memref<2x80x256xf32, #tpu.memory_space<vmem>> -> memref<1x80x256xf32, #tpu.memory_space<vmem>>
        %dma_start3A_168 = tpu.memref_squeeze %dma_start3A_167 : memref<1x80x256xf32, #tpu.memory_space<vmem>> -> memref<80x256xf32, #tpu.memory_space<vmem>>
        %dma_start3A_169 = arith.constant 0 : i32
        %dma_start3A_170 = tpu.memref_slice %arg2[%mul3A_164, %dma_start3A_169] : memref<100000x256xf32, #tpu.memory_space<hbm>> -> memref<80x256xf32, #tpu.memory_space<hbm>>
        %dma_start3A_171 = arith.constant 0 : i32
        %dma_start3A_172 = arith.constant 0 : i32
        %dma_start3A_173 = tpu.memref_slice %arg5[%dma_start3A, %dma_start3A_171, %dma_start3A_172] : memref<2x80x256xf32, #tpu.memory_space<vmem>> -> memref<1x80x256xf32, #tpu.memory_space<vmem>>
        %dma_start3A_174 = tpu.memref_squeeze %dma_start3A_173 : memref<1x80x256xf32, #tpu.memory_space<vmem>> -> memref<80x256xf32, #tpu.memory_space<vmem>>
        %dma_start3A_175 = arith.constant 0 : i32
        %dma_start3A_176 = tpu.memref_slice %arg2[%mul3A_164, %dma_start3A_175] : memref<100000x256xf32, #tpu.memory_space<hbm>> -> memref<80x256xf32, #tpu.memory_space<hbm>>
        tpu.enqueue_dma source(%dma_start3A_176 : memref<80x256xf32, #tpu.memory_space<hbm>>) target(%dma_start3A_174 : memref<80x256xf32, #tpu.memory_space<vmem>>) target_semaphore(%arg8 : memref<!tpu.dma_semaphore, #tpu.memory_space<semaphore_mem>>)
      } else {
      }
      %mul3A_100 = arith.constant 2 : i32
      %mul3A_101 = arith.muli %mul3A_100, %scan3A_38 : i32
      %add3A_102 = arith.constant 1 : i32
      %add3A_103 = arith.addi %mul3A_101, %add3A_102 : i32
      %mul3A_104 = arith.constant 32 : i32
      %mul3A_105 = arith.muli %add3A_103, %mul3A_104 : i32
      %add3A_106 = arith.addi %add3A, %mul3A_105 : i32
      %ge3A_107 = arith.constant 0 : i32
      %ge3A_108 = arith.cmpi sge, %add3A_103, %ge3A_107 : i32
      %lt3A_109 = arith.constant 1250 : i32
      %lt3A_110 = arith.cmpi slt, %add3A_106, %lt3A_109 : i32
      %and3A_111 = arith.andi %ge3A_108, %lt3A_110 : i1
      %convert_element_type3A_112 = arith.extui %and3A_111 : i1 to i32
      %cond3A_113 = arith.constant 0 : i32
      %cond3A_114 = arith.cmpi ne, %convert_element_type3A_112, %cond3A_113 : i32
      scf.if %cond3A_114 {
        %mul3A_163 = arith.constant 80 : i32
        %mul3A_164 = arith.muli %add3A_106, %mul3A_163 : i32
        %dma_wait3A = arith.constant 1 : i32
        %dma_wait3A_165 = arith.constant 0 : i32
        %dma_wait3A_166 = arith.constant 0 : i32
        %dma_wait3A_167 = tpu.memref_slice %arg5[%dma_wait3A, %dma_wait3A_165, %dma_wait3A_166] : memref<2x80x256xf32, #tpu.memory_space<vmem>> -> memref<1x80x256xf32, #tpu.memory_space<vmem>>
        %dma_wait3A_168 = tpu.memref_squeeze %dma_wait3A_167 : memref<1x80x256xf32, #tpu.memory_space<vmem>> -> memref<80x256xf32, #tpu.memory_space<vmem>>
        %dma_wait3A_169 = arith.constant 0 : i32
        %dma_wait3A_170 = tpu.memref_slice %arg2[%mul3A_164, %dma_wait3A_169] : memref<100000x256xf32, #tpu.memory_space<hbm>> -> memref<80x256xf32, #tpu.memory_space<hbm>>
        %dma_wait3A_171 = arith.constant 0 : i32
        %dma_wait3A_172 = arith.constant 0 : i32
        %dma_wait3A_173 = tpu.memref_slice %arg5[%dma_wait3A, %dma_wait3A_171, %dma_wait3A_172] : memref<2x80x256xf32, #tpu.memory_space<vmem>> -> memref<1x80x256xf32, #tpu.memory_space<vmem>>
        %dma_wait3A_174 = tpu.memref_squeeze %dma_wait3A_173 : memref<1x80x256xf32, #tpu.memory_space<vmem>> -> memref<80x256xf32, #tpu.memory_space<vmem>>
        %dma_wait3A_175 = arith.constant 0 : i32
        %dma_wait3A_176 = tpu.memref_slice %arg2[%mul3A_164, %dma_wait3A_175] : memref<100000x256xf32, #tpu.memory_space<hbm>> -> memref<80x256xf32, #tpu.memory_space<hbm>>
        tpu.wait_dma2 semaphore(%arg9 : memref<!tpu.dma_semaphore, #tpu.memory_space<semaphore_mem>>) src(%dma_wait3A_176 : memref<80x256xf32, #tpu.memory_space<hbm>>) dst(%dma_wait3A_174 : memref<80x256xf32, #tpu.memory_space<vmem>>)
      } else {
      }
      %sub3A_115 = arith.constant 2 : i32
      %sub3A_116 = arith.subi %add3A_103, %sub3A_115 : i32
      %mul3A_117 = arith.constant 32 : i32
      %mul3A_118 = arith.muli %sub3A_116, %mul3A_117 : i32
      %add3A_119 = arith.addi %add3A, %mul3A_118 : i32
      %ge3A_120 = arith.constant 0 : i32
      %ge3A_121 = arith.cmpi sge, %sub3A_116, %ge3A_120 : i32
      %lt3A_122 = arith.constant 1250 : i32
      %lt3A_123 = arith.cmpi slt, %add3A_119, %lt3A_122 : i32
      %and3A_124 = arith.andi %ge3A_121, %lt3A_123 : i1
      %convert_element_type3A_125 = arith.extui %and3A_124 : i1 to i32
      %cond3A_126 = arith.constant 0 : i32
      %cond3A_127 = arith.cmpi ne, %convert_element_type3A_125, %cond3A_126 : i32
      scf.if %cond3A_127 {
        %mul3A_163 = arith.constant 80 : i32
        %mul3A_164 = arith.muli %add3A_119, %mul3A_163 : i32
        %dma_wait3A = arith.constant 1 : i32
        %dma_wait3A_165 = arith.constant 0 : i32
        %dma_wait3A_166 = arith.constant 0 : i32
        %dma_wait3A_167 = tpu.memref_slice %arg6[%dma_wait3A, %dma_wait3A_165, %dma_wait3A_166] : memref<2x80x160xf32, #tpu.memory_space<vmem>> -> memref<1x80x160xf32, #tpu.memory_space<vmem>>
        %dma_wait3A_168 = tpu.memref_squeeze %dma_wait3A_167 : memref<1x80x160xf32, #tpu.memory_space<vmem>> -> memref<80x160xf32, #tpu.memory_space<vmem>>
        %dma_wait3A_169 = arith.constant 0 : i32
        %dma_wait3A_170 = tpu.memref_slice %arg3[%mul3A_164, %dma_wait3A_169] : memref<100000x160xf32, #tpu.memory_space<hbm>> -> memref<80x160xf32, #tpu.memory_space<hbm>>
        %dma_wait3A_171 = arith.constant 0 : i32
        %dma_wait3A_172 = tpu.memref_slice %arg3[%mul3A_164, %dma_wait3A_171] : memref<100000x160xf32, #tpu.memory_space<hbm>> -> memref<80x160xf32, #tpu.memory_space<hbm>>
        %dma_wait3A_173 = arith.constant 0 : i32
        %dma_wait3A_174 = arith.constant 0 : i32
        %dma_wait3A_175 = tpu.memref_slice %arg6[%dma_wait3A, %dma_wait3A_173, %dma_wait3A_174] : memref<2x80x160xf32, #tpu.memory_space<vmem>> -> memref<1x80x160xf32, #tpu.memory_space<vmem>>
        %dma_wait3A_176 = tpu.memref_squeeze %dma_wait3A_175 : memref<1x80x160xf32, #tpu.memory_space<vmem>> -> memref<80x160xf32, #tpu.memory_space<vmem>>
        tpu.wait_dma2 semaphore(%arg11 : memref<!tpu.dma_semaphore, #tpu.memory_space<semaphore_mem>>) src(%dma_wait3A_176 : memref<80x160xf32, #tpu.memory_space<vmem>>) dst(%dma_wait3A_172 : memref<80x160xf32, #tpu.memory_space<hbm>>)
        %dma_wait3A_177 = arith.constant 1 : i32
        %dma_wait3A_178 = arith.constant 0 : i32
        %dma_wait3A_179 = arith.constant 0 : i32
        %dma_wait3A_180 = tpu.memref_slice %arg7[%dma_wait3A_177, %dma_wait3A_178, %dma_wait3A_179] : memref<2x80x160xf32, #tpu.memory_space<vmem>> -> memref<1x80x160xf32, #tpu.memory_space<vmem>>
        %dma_wait3A_181 = tpu.memref_squeeze %dma_wait3A_180 : memref<1x80x160xf32, #tpu.memory_space<vmem>> -> memref<80x160xf32, #tpu.memory_space<vmem>>
        %dma_wait3A_182 = arith.constant 0 : i32
        %dma_wait3A_183 = tpu.memref_slice %arg4[%mul3A_164, %dma_wait3A_182] : memref<100000x160xf32, #tpu.memory_space<hbm>> -> memref<80x160xf32, #tpu.memory_space<hbm>>
        %dma_wait3A_184 = arith.constant 0 : i32
        %dma_wait3A_185 = tpu.memref_slice %arg4[%mul3A_164, %dma_wait3A_184] : memref<100000x160xf32, #tpu.memory_space<hbm>> -> memref<80x160xf32, #tpu.memory_space<hbm>>
        %dma_wait3A_186 = arith.constant 0 : i32
        %dma_wait3A_187 = arith.constant 0 : i32
        %dma_wait3A_188 = tpu.memref_slice %arg7[%dma_wait3A_177, %dma_wait3A_186, %dma_wait3A_187] : memref<2x80x160xf32, #tpu.memory_space<vmem>> -> memref<1x80x160xf32, #tpu.memory_space<vmem>>
        %dma_wait3A_189 = tpu.memref_squeeze %dma_wait3A_188 : memref<1x80x160xf32, #tpu.memory_space<vmem>> -> memref<80x160xf32, #tpu.memory_space<vmem>>
        tpu.wait_dma2 semaphore(%arg11 : memref<!tpu.dma_semaphore, #tpu.memory_space<semaphore_mem>>) src(%dma_wait3A_189 : memref<80x160xf32, #tpu.memory_space<vmem>>) dst(%dma_wait3A_185 : memref<80x160xf32, #tpu.memory_space<hbm>>)
      } else {
      }
      %mul3A_128 = arith.constant 32 : i32
      %mul3A_129 = arith.muli %add3A_103, %mul3A_128 : i32
      %add3A_130 = arith.addi %add3A, %mul3A_129 : i32
      %ge3A_131 = arith.constant 0 : i32
      %ge3A_132 = arith.cmpi sge, %add3A_103, %ge3A_131 : i32
      %lt3A_133 = arith.constant 1250 : i32
      %lt3A_134 = arith.cmpi slt, %add3A_130, %lt3A_133 : i32
      %and3A_135 = arith.andi %ge3A_132, %lt3A_134 : i1
      %convert_element_type3A_136 = arith.extui %and3A_135 : i1 to i32
      %cond3A_137 = arith.constant 0 : i32
      %cond3A_138 = arith.cmpi ne, %convert_element_type3A_136, %cond3A_137 : i32
      scf.if %cond3A_138 {
        %parallel_loop3A = arith.constant 0 : i32
        %parallel_loop3A_163 = arith.constant 80 : i32
        %parallel_loop3A_164 = arith.constant 1 : i32
        scf.for %parallel_loop3A_165 = %parallel_loop3A to %parallel_loop3A_163 step %parallel_loop3A_164  : i32 {
          %parallel_loop3A_166 = arith.constant 1 : i32
          %parallel_loop3A_167 = arith.index_cast %parallel_loop3A_166 : i32 to index
          %parallel_loop3A_168 = arith.index_cast %parallel_loop3A_165 : i32 to index
          %parallel_loop3A_169 = arith.constant 0 : index
          %parallel_loop3A_170 = tpu.vector_load %arg5[%parallel_loop3A_167, %parallel_loop3A_168, %parallel_loop3A_169] {strides = array<i32>} : memref<2x80x256xf32, #tpu.memory_space<vmem>>, vector<1x1x16xf32>,
          %parallel_loop3A_171 = vector.shape_cast %parallel_loop3A_170 : vector<1x1x16xf32> to vector<16xf32>
          %parallel_loop3A_172 = arith.constant 1 : i32
          %parallel_loop3A_173 = arith.index_cast %parallel_loop3A_172 : i32 to index
          %parallel_loop3A_174 = arith.index_cast %parallel_loop3A_165 : i32 to index
          %parallel_loop3A_175 = arith.constant 16 : index
          %parallel_loop3A_176 = tpu.vector_load %arg5[%parallel_loop3A_173, %parallel_loop3A_174, %parallel_loop3A_175] {strides = array<i32>} : memref<2x80x256xf32, #tpu.memory_space<vmem>>, vector<1x1x16xf32>,
          %parallel_loop3A_177 = vector.shape_cast %parallel_loop3A_176 : vector<1x1x16xf32> to vector<16xf32>
          %parallel_loop3A_178 = arith.constant 1 : i32
          %parallel_loop3A_179 = arith.index_cast %parallel_loop3A_178 : i32 to index
          %parallel_loop3A_180 = arith.index_cast %parallel_loop3A_165 : i32 to index
          %parallel_loop3A_181 = arith.constant 32 : index
          %parallel_loop3A_182 = tpu.vector_load %arg5[%parallel_loop3A_179, %parallel_loop3A_180, %parallel_loop3A_181] {strides = array<i32>} : memref<2x80x256xf32, #tpu.memory_space<vmem>>, vector<1x1x16xf32>,
          %parallel_loop3A_183 = vector.shape_cast %parallel_loop3A_182 : vector<1x1x16xf32> to vector<16xf32>
          %parallel_loop3A_184 = arith.constant 1 : i32
          %parallel_loop3A_185 = arith.index_cast %parallel_loop3A_184 : i32 to index
          %parallel_loop3A_186 = arith.index_cast %parallel_loop3A_165 : i32 to index
          %parallel_loop3A_187 = arith.constant 48 : index
          %parallel_loop3A_188 = tpu.vector_load %arg5[%parallel_loop3A_185, %parallel_loop3A_186, %parallel_loop3A_187] {strides = array<i32>} : memref<2x80x256xf32, #tpu.memory_space<vmem>>, vector<1x1x16xf32>,
          %parallel_loop3A_189 = vector.shape_cast %parallel_loop3A_188 : vector<1x1x16xf32> to vector<16xf32>
          %parallel_loop3A_190 = arith.constant 1 : i32
          %parallel_loop3A_191 = arith.index_cast %parallel_loop3A_190 : i32 to index
          %parallel_loop3A_192 = arith.index_cast %parallel_loop3A_165 : i32 to index
          %parallel_loop3A_193 = arith.constant 64 : index
          %parallel_loop3A_194 = tpu.vector_load %arg5[%parallel_loop3A_191, %parallel_loop3A_192, %parallel_loop3A_193] {strides = array<i32>} : memref<2x80x256xf32, #tpu.memory_space<vmem>>, vector<1x1x16xf32>,
          %parallel_loop3A_195 = vector.shape_cast %parallel_loop3A_194 : vector<1x1x16xf32> to vector<16xf32>
          %parallel_loop3A_196 = arith.constant 1 : i32
          %parallel_loop3A_197 = arith.index_cast %parallel_loop3A_196 : i32 to index
          %parallel_loop3A_198 = arith.index_cast %parallel_loop3A_165 : i32 to index
          %parallel_loop3A_199 = arith.constant 80 : index
          %parallel_loop3A_200 = tpu.vector_load %arg5[%parallel_loop3A_197, %parallel_loop3A_198, %parallel_loop3A_199] {strides = array<i32>} : memref<2x80x256xf32, #tpu.memory_space<vmem>>, vector<1x1x16xf32>,
          %parallel_loop3A_201 = vector.shape_cast %parallel_loop3A_200 : vector<1x1x16xf32> to vector<16xf32>
          %parallel_loop3A_202 = arith.constant 1 : i32
          %parallel_loop3A_203 = arith.index_cast %parallel_loop3A_202 : i32 to index
          %parallel_loop3A_204 = arith.index_cast %parallel_loop3A_165 : i32 to index
          %parallel_loop3A_205 = arith.constant 96 : index
          %parallel_loop3A_206 = tpu.vector_load %arg5[%parallel_loop3A_203, %parallel_loop3A_204, %parallel_loop3A_205] {strides = array<i32>} : memref<2x80x256xf32, #tpu.memory_space<vmem>>, vector<1x1x16xf32>,
          %parallel_loop3A_207 = vector.shape_cast %parallel_loop3A_206 : vector<1x1x16xf32> to vector<16xf32>
          %parallel_loop3A_208 = arith.constant 1 : i32
          %parallel_loop3A_209 = arith.index_cast %parallel_loop3A_208 : i32 to index
          %parallel_loop3A_210 = arith.index_cast %parallel_loop3A_165 : i32 to index
          %parallel_loop3A_211 = arith.constant 112 : index
          %parallel_loop3A_212 = tpu.vector_load %arg5[%parallel_loop3A_209, %parallel_loop3A_210, %parallel_loop3A_211] {strides = array<i32>} : memref<2x80x256xf32, #tpu.memory_space<vmem>>, vector<1x1x16xf32>,
          %parallel_loop3A_213 = vector.shape_cast %parallel_loop3A_212 : vector<1x1x16xf32> to vector<16xf32>
          %parallel_loop3A_214 = arith.constant 1 : i32
          %parallel_loop3A_215 = arith.index_cast %parallel_loop3A_214 : i32 to index
          %parallel_loop3A_216 = arith.index_cast %parallel_loop3A_165 : i32 to index
          %parallel_loop3A_217 = arith.constant 128 : index
          %parallel_loop3A_218 = tpu.vector_load %arg5[%parallel_loop3A_215, %parallel_loop3A_216, %parallel_loop3A_217] {strides = array<i32>} : memref<2x80x256xf32, #tpu.memory_space<vmem>>, vector<1x1x16xf32>,
          %parallel_loop3A_219 = vector.shape_cast %parallel_loop3A_218 : vector<1x1x16xf32> to vector<16xf32>
          %parallel_loop3A_220 = arith.constant 1 : i32
          %parallel_loop3A_221 = arith.index_cast %parallel_loop3A_220 : i32 to index
          %parallel_loop3A_222 = arith.index_cast %parallel_loop3A_165 : i32 to index
          %parallel_loop3A_223 = arith.constant 144 : index
          %parallel_loop3A_224 = tpu.vector_load %arg5[%parallel_loop3A_221, %parallel_loop3A_222, %parallel_loop3A_223] {strides = array<i32>} : memref<2x80x256xf32, #tpu.memory_space<vmem>>, vector<1x1x16xf32>,
          %parallel_loop3A_225 = vector.shape_cast %parallel_loop3A_224 : vector<1x1x16xf32> to vector<16xf32>
          %parallel_loop3A_226 = arith.constant 1 : i32
          %parallel_loop3A_227 = arith.index_cast %parallel_loop3A_226 : i32 to index
          %parallel_loop3A_228 = arith.index_cast %parallel_loop3A_165 : i32 to index
          %parallel_loop3A_229 = arith.constant 160 : index
          %parallel_loop3A_230 = tpu.vector_load %arg5[%parallel_loop3A_227, %parallel_loop3A_228, %parallel_loop3A_229] {strides = array<i32>} : memref<2x80x256xf32, #tpu.memory_space<vmem>>, vector<1x1x16xf32>,
          %parallel_loop3A_231 = vector.shape_cast %parallel_loop3A_230 : vector<1x1x16xf32> to vector<16xf32>
          %parallel_loop3A_232 = arith.constant 1 : i32
          %parallel_loop3A_233 = arith.index_cast %parallel_loop3A_232 : i32 to index
          %parallel_loop3A_234 = arith.index_cast %parallel_loop3A_165 : i32 to index
          %parallel_loop3A_235 = arith.constant 176 : index
          %parallel_loop3A_236 = tpu.vector_load %arg5[%parallel_loop3A_233, %parallel_loop3A_234, %parallel_loop3A_235] {strides = array<i32>} : memref<2x80x256xf32, #tpu.memory_space<vmem>>, vector<1x1x16xf32>,
          %parallel_loop3A_237 = vector.shape_cast %parallel_loop3A_236 : vector<1x1x16xf32> to vector<16xf32>
          %parallel_loop3A_238 = arith.constant 1 : i32
          %parallel_loop3A_239 = arith.index_cast %parallel_loop3A_238 : i32 to index
          %parallel_loop3A_240 = arith.index_cast %parallel_loop3A_165 : i32 to index
          %parallel_loop3A_241 = arith.constant 192 : index
          %parallel_loop3A_242 = tpu.vector_load %arg5[%parallel_loop3A_239, %parallel_loop3A_240, %parallel_loop3A_241] {strides = array<i32>} : memref<2x80x256xf32, #tpu.memory_space<vmem>>, vector<1x1x16xf32>,
          %parallel_loop3A_243 = vector.shape_cast %parallel_loop3A_242 : vector<1x1x16xf32> to vector<16xf32>
          %parallel_loop3A_244 = arith.constant 1 : i32
          %parallel_loop3A_245 = arith.index_cast %parallel_loop3A_244 : i32 to index
          %parallel_loop3A_246 = arith.index_cast %parallel_loop3A_165 : i32 to index
          %parallel_loop3A_247 = arith.constant 208 : index
          %parallel_loop3A_248 = tpu.vector_load %arg5[%parallel_loop3A_245, %parallel_loop3A_246, %parallel_loop3A_247] {strides = array<i32>} : memref<2x80x256xf32, #tpu.memory_space<vmem>>, vector<1x1x16xf32>,
          %parallel_loop3A_249 = vector.shape_cast %parallel_loop3A_248 : vector<1x1x16xf32> to vector<16xf32>
          %parallel_loop3A_250 = arith.constant 1 : i32
          %parallel_loop3A_251 = arith.index_cast %parallel_loop3A_250 : i32 to index
          %parallel_loop3A_252 = arith.index_cast %parallel_loop3A_165 : i32 to index
          %parallel_loop3A_253 = arith.constant 224 : index
          %parallel_loop3A_254 = tpu.vector_load %arg5[%parallel_loop3A_251, %parallel_loop3A_252, %parallel_loop3A_253] {strides = array<i32>} : memref<2x80x256xf32, #tpu.memory_space<vmem>>, vector<1x1x16xf32>,
          %parallel_loop3A_255 = vector.shape_cast %parallel_loop3A_254 : vector<1x1x16xf32> to vector<16xf32>
          %parallel_loop3A_256 = arith.constant 1 : i32
          %parallel_loop3A_257 = arith.index_cast %parallel_loop3A_256 : i32 to index
          %parallel_loop3A_258 = arith.index_cast %parallel_loop3A_165 : i32 to index
          %parallel_loop3A_259 = arith.constant 240 : index
          %parallel_loop3A_260 = tpu.vector_load %arg5[%parallel_loop3A_257, %parallel_loop3A_258, %parallel_loop3A_259] {strides = array<i32>} : memref<2x80x256xf32, #tpu.memory_space<vmem>>, vector<1x1x16xf32>,
          %parallel_loop3A_261 = vector.shape_cast %parallel_loop3A_260 : vector<1x1x16xf32> to vector<16xf32>
          %parallel_loop3A_262 = arith.constant 1 : i32
          %parallel_loop3A_263 = arith.index_cast %parallel_loop3A_262 : i32 to index
          %parallel_loop3A_264 = arith.index_cast %parallel_loop3A_165 : i32 to index
          %parallel_loop3A_265 = arith.constant 0 : index
          %parallel_loop3A_266 = tpu.vector_load %arg6[%parallel_loop3A_263, %parallel_loop3A_264, %parallel_loop3A_265] {strides = array<i32>} : memref<2x80x160xf32, #tpu.memory_space<vmem>>, vector<1x1x16xf32>,
          %parallel_loop3A_267 = vector.shape_cast %parallel_loop3A_266 : vector<1x1x16xf32> to vector<16xf32>
          %parallel_loop3A_268 = vector.shape_cast %parallel_loop3A_171 : vector<16xf32> to vector<1x1x16xf32>
          tpu.vector_store %arg6[%parallel_loop3A_263, %parallel_loop3A_264, %parallel_loop3A_265], %parallel_loop3A_268 {strides = array<i32>} : memref<2x80x160xf32, #tpu.memory_space<vmem>>, vector<1x1x16xf32>,
          %parallel_loop3A_269 = arith.constant 1 : i32
          %parallel_loop3A_270 = arith.index_cast %parallel_loop3A_269 : i32 to index
          %parallel_loop3A_271 = arith.index_cast %parallel_loop3A_165 : i32 to index
          %parallel_loop3A_272 = arith.constant 16 : index
          %parallel_loop3A_273 = tpu.vector_load %arg6[%parallel_loop3A_270, %parallel_loop3A_271, %parallel_loop3A_272] {strides = array<i32>} : memref<2x80x160xf32, #tpu.memory_space<vmem>>, vector<1x1x16xf32>,
          %parallel_loop3A_274 = vector.shape_cast %parallel_loop3A_273 : vector<1x1x16xf32> to vector<16xf32>
          %parallel_loop3A_275 = vector.shape_cast %parallel_loop3A_177 : vector<16xf32> to vector<1x1x16xf32>
          tpu.vector_store %arg6[%parallel_loop3A_270, %parallel_loop3A_271, %parallel_loop3A_272], %parallel_loop3A_275 {strides = array<i32>} : memref<2x80x160xf32, #tpu.memory_space<vmem>>, vector<1x1x16xf32>,
          %parallel_loop3A_276 = arith.constant 1 : i32
          %parallel_loop3A_277 = arith.index_cast %parallel_loop3A_276 : i32 to index
          %parallel_loop3A_278 = arith.index_cast %parallel_loop3A_165 : i32 to index
          %parallel_loop3A_279 = arith.constant 32 : index
          %parallel_loop3A_280 = tpu.vector_load %arg6[%parallel_loop3A_277, %parallel_loop3A_278, %parallel_loop3A_279] {strides = array<i32>} : memref<2x80x160xf32, #tpu.memory_space<vmem>>, vector<1x1x16xf32>,
          %parallel_loop3A_281 = vector.shape_cast %parallel_loop3A_280 : vector<1x1x16xf32> to vector<16xf32>
          %parallel_loop3A_282 = vector.shape_cast %parallel_loop3A_183 : vector<16xf32> to vector<1x1x16xf32>
          tpu.vector_store %arg6[%parallel_loop3A_277, %parallel_loop3A_278, %parallel_loop3A_279], %parallel_loop3A_282 {strides = array<i32>} : memref<2x80x160xf32, #tpu.memory_space<vmem>>, vector<1x1x16xf32>,
          %parallel_loop3A_283 = arith.constant 1 : i32
          %parallel_loop3A_284 = arith.index_cast %parallel_loop3A_283 : i32 to index
          %parallel_loop3A_285 = arith.index_cast %parallel_loop3A_165 : i32 to index
          %parallel_loop3A_286 = arith.constant 48 : index
          %parallel_loop3A_287 = tpu.vector_load %arg6[%parallel_loop3A_284, %parallel_loop3A_285, %parallel_loop3A_286] {strides = array<i32>} : memref<2x80x160xf32, #tpu.memory_space<vmem>>, vector<1x1x16xf32>,
          %parallel_loop3A_288 = vector.shape_cast %parallel_loop3A_287 : vector<1x1x16xf32> to vector<16xf32>
          %parallel_loop3A_289 = vector.shape_cast %parallel_loop3A_189 : vector<16xf32> to vector<1x1x16xf32>
          tpu.vector_store %arg6[%parallel_loop3A_284, %parallel_loop3A_285, %parallel_loop3A_286], %parallel_loop3A_289 {strides = array<i32>} : memref<2x80x160xf32, #tpu.memory_space<vmem>>, vector<1x1x16xf32>,
          %parallel_loop3A_290 = arith.constant 1 : i32
          %parallel_loop3A_291 = arith.index_cast %parallel_loop3A_290 : i32 to index
          %parallel_loop3A_292 = arith.index_cast %parallel_loop3A_165 : i32 to index
          %parallel_loop3A_293 = arith.constant 64 : index
          %parallel_loop3A_294 = tpu.vector_load %arg6[%parallel_loop3A_291, %parallel_loop3A_292, %parallel_loop3A_293] {strides = array<i32>} : memref<2x80x160xf32, #tpu.memory_space<vmem>>, vector<1x1x16xf32>,
          %parallel_loop3A_295 = vector.shape_cast %parallel_loop3A_294 : vector<1x1x16xf32> to vector<16xf32>
          %parallel_loop3A_296 = vector.shape_cast %parallel_loop3A_195 : vector<16xf32> to vector<1x1x16xf32>
          tpu.vector_store %arg6[%parallel_loop3A_291, %parallel_loop3A_292, %parallel_loop3A_293], %parallel_loop3A_296 {strides = array<i32>} : memref<2x80x160xf32, #tpu.memory_space<vmem>>, vector<1x1x16xf32>,
          %parallel_loop3A_297 = arith.constant 1 : i32
          %parallel_loop3A_298 = arith.index_cast %parallel_loop3A_297 : i32 to index
          %parallel_loop3A_299 = arith.index_cast %parallel_loop3A_165 : i32 to index
          %parallel_loop3A_300 = arith.constant 80 : index
          %parallel_loop3A_301 = tpu.vector_load %arg6[%parallel_loop3A_298, %parallel_loop3A_299, %parallel_loop3A_300] {strides = array<i32>} : memref<2x80x160xf32, #tpu.memory_space<vmem>>, vector<1x1x16xf32>,
          %parallel_loop3A_302 = vector.shape_cast %parallel_loop3A_301 : vector<1x1x16xf32> to vector<16xf32>
          %parallel_loop3A_303 = vector.shape_cast %parallel_loop3A_201 : vector<16xf32> to vector<1x1x16xf32>
          tpu.vector_store %arg6[%parallel_loop3A_298, %parallel_loop3A_299, %parallel_loop3A_300], %parallel_loop3A_303 {strides = array<i32>} : memref<2x80x160xf32, #tpu.memory_space<vmem>>, vector<1x1x16xf32>,
          %parallel_loop3A_304 = arith.constant 1 : i32
          %parallel_loop3A_305 = arith.index_cast %parallel_loop3A_304 : i32 to index
          %parallel_loop3A_306 = arith.index_cast %parallel_loop3A_165 : i32 to index
          %parallel_loop3A_307 = arith.constant 96 : index
          %parallel_loop3A_308 = tpu.vector_load %arg6[%parallel_loop3A_305, %parallel_loop3A_306, %parallel_loop3A_307] {strides = array<i32>} : memref<2x80x160xf32, #tpu.memory_space<vmem>>, vector<1x1x16xf32>,
          %parallel_loop3A_309 = vector.shape_cast %parallel_loop3A_308 : vector<1x1x16xf32> to vector<16xf32>
          %parallel_loop3A_310 = vector.shape_cast %parallel_loop3A_207 : vector<16xf32> to vector<1x1x16xf32>
          tpu.vector_store %arg6[%parallel_loop3A_305, %parallel_loop3A_306, %parallel_loop3A_307], %parallel_loop3A_310 {strides = array<i32>} : memref<2x80x160xf32, #tpu.memory_space<vmem>>, vector<1x1x16xf32>,
          %parallel_loop3A_311 = arith.constant 1 : i32
          %parallel_loop3A_312 = arith.index_cast %parallel_loop3A_311 : i32 to index
          %parallel_loop3A_313 = arith.index_cast %parallel_loop3A_165 : i32 to index
          %parallel_loop3A_314 = arith.constant 112 : index
          %parallel_loop3A_315 = tpu.vector_load %arg6[%parallel_loop3A_312, %parallel_loop3A_313, %parallel_loop3A_314] {strides = array<i32>} : memref<2x80x160xf32, #tpu.memory_space<vmem>>, vector<1x1x16xf32>,
          %parallel_loop3A_316 = vector.shape_cast %parallel_loop3A_315 : vector<1x1x16xf32> to vector<16xf32>
          %parallel_loop3A_317 = vector.shape_cast %parallel_loop3A_213 : vector<16xf32> to vector<1x1x16xf32>
          tpu.vector_store %arg6[%parallel_loop3A_312, %parallel_loop3A_313, %parallel_loop3A_314], %parallel_loop3A_317 {strides = array<i32>} : memref<2x80x160xf32, #tpu.memory_space<vmem>>, vector<1x1x16xf32>,
          %parallel_loop3A_318 = arith.constant 1 : i32
          %parallel_loop3A_319 = arith.index_cast %parallel_loop3A_318 : i32 to index
          %parallel_loop3A_320 = arith.index_cast %parallel_loop3A_165 : i32 to index
          %parallel_loop3A_321 = arith.constant 128 : index
          %parallel_loop3A_322 = tpu.vector_load %arg6[%parallel_loop3A_319, %parallel_loop3A_320, %parallel_loop3A_321] {strides = array<i32>} : memref<2x80x160xf32, #tpu.memory_space<vmem>>, vector<1x1x16xf32>,
          %parallel_loop3A_323 = vector.shape_cast %parallel_loop3A_322 : vector<1x1x16xf32> to vector<16xf32>
          %parallel_loop3A_324 = vector.shape_cast %parallel_loop3A_219 : vector<16xf32> to vector<1x1x16xf32>
          tpu.vector_store %arg6[%parallel_loop3A_319, %parallel_loop3A_320, %parallel_loop3A_321], %parallel_loop3A_324 {strides = array<i32>} : memref<2x80x160xf32, #tpu.memory_space<vmem>>, vector<1x1x16xf32>,
          %parallel_loop3A_325 = arith.constant 1 : i32
          %parallel_loop3A_326 = arith.index_cast %parallel_loop3A_325 : i32 to index
          %parallel_loop3A_327 = arith.index_cast %parallel_loop3A_165 : i32 to index
          %parallel_loop3A_328 = arith.constant 144 : index
          %parallel_loop3A_329 = tpu.vector_load %arg6[%parallel_loop3A_326, %parallel_loop3A_327, %parallel_loop3A_328] {strides = array<i32>} : memref<2x80x160xf32, #tpu.memory_space<vmem>>, vector<1x1x16xf32>,
          %parallel_loop3A_330 = vector.shape_cast %parallel_loop3A_329 : vector<1x1x16xf32> to vector<16xf32>
          %parallel_loop3A_331 = vector.shape_cast %parallel_loop3A_225 : vector<16xf32> to vector<1x1x16xf32>
          tpu.vector_store %arg6[%parallel_loop3A_326, %parallel_loop3A_327, %parallel_loop3A_328], %parallel_loop3A_331 {strides = array<i32>} : memref<2x80x160xf32, #tpu.memory_space<vmem>>, vector<1x1x16xf32>,
          %parallel_loop3A_332 = arith.constant 1 : i32
          %parallel_loop3A_333 = arith.index_cast %parallel_loop3A_332 : i32 to index
          %parallel_loop3A_334 = arith.index_cast %parallel_loop3A_165 : i32 to index
          %parallel_loop3A_335 = arith.constant 0 : index
          %parallel_loop3A_336 = tpu.vector_load %arg7[%parallel_loop3A_333, %parallel_loop3A_334, %parallel_loop3A_335] {strides = array<i32>} : memref<2x80x160xf32, #tpu.memory_space<vmem>>, vector<1x1x16xf32>,
          %parallel_loop3A_337 = vector.shape_cast %parallel_loop3A_336 : vector<1x1x16xf32> to vector<16xf32>
          %parallel_loop3A_338 = vector.shape_cast %parallel_loop3A_207 : vector<16xf32> to vector<1x1x16xf32>
          tpu.vector_store %arg7[%parallel_loop3A_333, %parallel_loop3A_334, %parallel_loop3A_335], %parallel_loop3A_338 {strides = array<i32>} : memref<2x80x160xf32, #tpu.memory_space<vmem>>, vector<1x1x16xf32>,
          %parallel_loop3A_339 = arith.constant 1 : i32
          %parallel_loop3A_340 = arith.index_cast %parallel_loop3A_339 : i32 to index
          %parallel_loop3A_341 = arith.index_cast %parallel_loop3A_165 : i32 to index
          %parallel_loop3A_342 = arith.constant 16 : index
          %parallel_loop3A_343 = tpu.vector_load %arg7[%parallel_loop3A_340, %parallel_loop3A_341, %parallel_loop3A_342] {strides = array<i32>} : memref<2x80x160xf32, #tpu.memory_space<vmem>>, vector<1x1x16xf32>,
          %parallel_loop3A_344 = vector.shape_cast %parallel_loop3A_343 : vector<1x1x16xf32> to vector<16xf32>
          %parallel_loop3A_345 = vector.shape_cast %parallel_loop3A_213 : vector<16xf32> to vector<1x1x16xf32>
          tpu.vector_store %arg7[%parallel_loop3A_340, %parallel_loop3A_341, %parallel_loop3A_342], %parallel_loop3A_345 {strides = array<i32>} : memref<2x80x160xf32, #tpu.memory_space<vmem>>, vector<1x1x16xf32>,
          %parallel_loop3A_346 = arith.constant 1 : i32
          %parallel_loop3A_347 = arith.index_cast %parallel_loop3A_346 : i32 to index
          %parallel_loop3A_348 = arith.index_cast %parallel_loop3A_165 : i32 to index
          %parallel_loop3A_349 = arith.constant 32 : index
          %parallel_loop3A_350 = tpu.vector_load %arg7[%parallel_loop3A_347, %parallel_loop3A_348, %parallel_loop3A_349] {strides = array<i32>} : memref<2x80x160xf32, #tpu.memory_space<vmem>>, vector<1x1x16xf32>,
          %parallel_loop3A_351 = vector.shape_cast %parallel_loop3A_350 : vector<1x1x16xf32> to vector<16xf32>
          %parallel_loop3A_352 = vector.shape_cast %parallel_loop3A_219 : vector<16xf32> to vector<1x1x16xf32>
          tpu.vector_store %arg7[%parallel_loop3A_347, %parallel_loop3A_348, %parallel_loop3A_349], %parallel_loop3A_352 {strides = array<i32>} : memref<2x80x160xf32, #tpu.memory_space<vmem>>, vector<1x1x16xf32>,
          %parallel_loop3A_353 = arith.constant 1 : i32
          %parallel_loop3A_354 = arith.index_cast %parallel_loop3A_353 : i32 to index
          %parallel_loop3A_355 = arith.index_cast %parallel_loop3A_165 : i32 to index
          %parallel_loop3A_356 = arith.constant 48 : index
          %parallel_loop3A_357 = tpu.vector_load %arg7[%parallel_loop3A_354, %parallel_loop3A_355, %parallel_loop3A_356] {strides = array<i32>} : memref<2x80x160xf32, #tpu.memory_space<vmem>>, vector<1x1x16xf32>,
          %parallel_loop3A_358 = vector.shape_cast %parallel_loop3A_357 : vector<1x1x16xf32> to vector<16xf32>
          %parallel_loop3A_359 = vector.shape_cast %parallel_loop3A_225 : vector<16xf32> to vector<1x1x16xf32>
          tpu.vector_store %arg7[%parallel_loop3A_354, %parallel_loop3A_355, %parallel_loop3A_356], %parallel_loop3A_359 {strides = array<i32>} : memref<2x80x160xf32, #tpu.memory_space<vmem>>, vector<1x1x16xf32>,
          %parallel_loop3A_360 = arith.constant 1 : i32
          %parallel_loop3A_361 = arith.index_cast %parallel_loop3A_360 : i32 to index
          %parallel_loop3A_362 = arith.index_cast %parallel_loop3A_165 : i32 to index
          %parallel_loop3A_363 = arith.constant 64 : index
          %parallel_loop3A_364 = tpu.vector_load %arg7[%parallel_loop3A_361, %parallel_loop3A_362, %parallel_loop3A_363] {strides = array<i32>} : memref<2x80x160xf32, #tpu.memory_space<vmem>>, vector<1x1x16xf32>,
          %parallel_loop3A_365 = vector.shape_cast %parallel_loop3A_364 : vector<1x1x16xf32> to vector<16xf32>
          %parallel_loop3A_366 = vector.shape_cast %parallel_loop3A_231 : vector<16xf32> to vector<1x1x16xf32>
          tpu.vector_store %arg7[%parallel_loop3A_361, %parallel_loop3A_362, %parallel_loop3A_363], %parallel_loop3A_366 {strides = array<i32>} : memref<2x80x160xf32, #tpu.memory_space<vmem>>, vector<1x1x16xf32>,
          %parallel_loop3A_367 = arith.constant 1 : i32
          %parallel_loop3A_368 = arith.index_cast %parallel_loop3A_367 : i32 to index
          %parallel_loop3A_369 = arith.index_cast %parallel_loop3A_165 : i32 to index
          %parallel_loop3A_370 = arith.constant 80 : index
          %parallel_loop3A_371 = tpu.vector_load %arg7[%parallel_loop3A_368, %parallel_loop3A_369, %parallel_loop3A_370] {strides = array<i32>} : memref<2x80x160xf32, #tpu.memory_space<vmem>>, vector<1x1x16xf32>,
          %parallel_loop3A_372 = vector.shape_cast %parallel_loop3A_371 : vector<1x1x16xf32> to vector<16xf32>
          %parallel_loop3A_373 = vector.shape_cast %parallel_loop3A_237 : vector<16xf32> to vector<1x1x16xf32>
          tpu.vector_store %arg7[%parallel_loop3A_368, %parallel_loop3A_369, %parallel_loop3A_370], %parallel_loop3A_373 {strides = array<i32>} : memref<2x80x160xf32, #tpu.memory_space<vmem>>, vector<1x1x16xf32>,
          %parallel_loop3A_374 = arith.constant 1 : i32
          %parallel_loop3A_375 = arith.index_cast %parallel_loop3A_374 : i32 to index
          %parallel_loop3A_376 = arith.index_cast %parallel_loop3A_165 : i32 to index
          %parallel_loop3A_377 = arith.constant 96 : index
          %parallel_loop3A_378 = tpu.vector_load %arg7[%parallel_loop3A_375, %parallel_loop3A_376, %parallel_loop3A_377] {strides = array<i32>} : memref<2x80x160xf32, #tpu.memory_space<vmem>>, vector<1x1x16xf32>,
          %parallel_loop3A_379 = vector.shape_cast %parallel_loop3A_378 : vector<1x1x16xf32> to vector<16xf32>
          %parallel_loop3A_380 = vector.shape_cast %parallel_loop3A_243 : vector<16xf32> to vector<1x1x16xf32>
          tpu.vector_store %arg7[%parallel_loop3A_375, %parallel_loop3A_376, %parallel_loop3A_377], %parallel_loop3A_380 {strides = array<i32>} : memref<2x80x160xf32, #tpu.memory_space<vmem>>, vector<1x1x16xf32>,
          %parallel_loop3A_381 = arith.constant 1 : i32
          %parallel_loop3A_382 = arith.index_cast %parallel_loop3A_381 : i32 to index
          %parallel_loop3A_383 = arith.index_cast %parallel_loop3A_165 : i32 to index
          %parallel_loop3A_384 = arith.constant 112 : index
          %parallel_loop3A_385 = tpu.vector_load %arg7[%parallel_loop3A_382, %parallel_loop3A_383, %parallel_loop3A_384] {strides = array<i32>} : memref<2x80x160xf32, #tpu.memory_space<vmem>>, vector<1x1x16xf32>,
          %parallel_loop3A_386 = vector.shape_cast %parallel_loop3A_385 : vector<1x1x16xf32> to vector<16xf32>
          %parallel_loop3A_387 = vector.shape_cast %parallel_loop3A_249 : vector<16xf32> to vector<1x1x16xf32>
          tpu.vector_store %arg7[%parallel_loop3A_382, %parallel_loop3A_383, %parallel_loop3A_384], %parallel_loop3A_387 {strides = array<i32>} : memref<2x80x160xf32, #tpu.memory_space<vmem>>, vector<1x1x16xf32>,
          %parallel_loop3A_388 = arith.constant 1 : i32
          %parallel_loop3A_389 = arith.index_cast %parallel_loop3A_388 : i32 to index
          %parallel_loop3A_390 = arith.index_cast %parallel_loop3A_165 : i32 to index
          %parallel_loop3A_391 = arith.constant 128 : index
          %parallel_loop3A_392 = tpu.vector_load %arg7[%parallel_loop3A_389, %parallel_loop3A_390, %parallel_loop3A_391] {strides = array<i32>} : memref<2x80x160xf32, #tpu.memory_space<vmem>>, vector<1x1x16xf32>,
          %parallel_loop3A_393 = vector.shape_cast %parallel_loop3A_392 : vector<1x1x16xf32> to vector<16xf32>
          %parallel_loop3A_394 = vector.shape_cast %parallel_loop3A_255 : vector<16xf32> to vector<1x1x16xf32>
          tpu.vector_store %arg7[%parallel_loop3A_389, %parallel_loop3A_390, %parallel_loop3A_391], %parallel_loop3A_394 {strides = array<i32>} : memref<2x80x160xf32, #tpu.memory_space<vmem>>, vector<1x1x16xf32>,
          %parallel_loop3A_395 = arith.constant 1 : i32
          %parallel_loop3A_396 = arith.index_cast %parallel_loop3A_395 : i32 to index
          %parallel_loop3A_397 = arith.index_cast %parallel_loop3A_165 : i32 to index
          %parallel_loop3A_398 = arith.constant 144 : index
          %parallel_loop3A_399 = tpu.vector_load %arg7[%parallel_loop3A_396, %parallel_loop3A_397, %parallel_loop3A_398] {strides = array<i32>} : memref<2x80x160xf32, #tpu.memory_space<vmem>>, vector<1x1x16xf32>,
          %parallel_loop3A_400 = vector.shape_cast %parallel_loop3A_399 : vector<1x1x16xf32> to vector<16xf32>
          %parallel_loop3A_401 = vector.shape_cast %parallel_loop3A_261 : vector<16xf32> to vector<1x1x16xf32>
          tpu.vector_store %arg7[%parallel_loop3A_396, %parallel_loop3A_397, %parallel_loop3A_398], %parallel_loop3A_401 {strides = array<i32>} : memref<2x80x160xf32, #tpu.memory_space<vmem>>, vector<1x1x16xf32>,
        } {sc.loop_unroll_factor = 8 : i64, sc.parallel_access}
      } else {
      }
      %mul3A_139 = arith.constant 32 : i32
      %mul3A_140 = arith.muli %add3A_103, %mul3A_139 : i32
      %add3A_141 = arith.addi %add3A, %mul3A_140 : i32
      %ge3A_142 = arith.constant 0 : i32
      %ge3A_143 = arith.cmpi sge, %add3A_103, %ge3A_142 : i32
      %lt3A_144 = arith.constant 1250 : i32
      %lt3A_145 = arith.cmpi slt, %add3A_141, %lt3A_144 : i32
      %and3A_146 = arith.andi %ge3A_143, %lt3A_145 : i1
      %convert_element_type3A_147 = arith.extui %and3A_146 : i1 to i32
      %cond3A_148 = arith.constant 0 : i32
      %cond3A_149 = arith.cmpi ne, %convert_element_type3A_147, %cond3A_148 : i32
      scf.if %cond3A_149 {
        %mul3A_163 = arith.constant 80 : i32
        %mul3A_164 = arith.muli %add3A_141, %mul3A_163 : i32
        %dma_start3A = arith.constant 1 : i32
        %dma_start3A_165 = arith.constant 0 : i32
        %dma_start3A_166 = arith.constant 0 : i32
        %dma_start3A_167 = tpu.memref_slice %arg6[%dma_start3A, %dma_start3A_165, %dma_start3A_166] : memref<2x80x160xf32, #tpu.memory_space<vmem>> -> memref<1x80x160xf32, #tpu.memory_space<vmem>>
        %dma_start3A_168 = tpu.memref_squeeze %dma_start3A_167 : memref<1x80x160xf32, #tpu.memory_space<vmem>> -> memref<80x160xf32, #tpu.memory_space<vmem>>
        %dma_start3A_169 = arith.constant 0 : i32
        %dma_start3A_170 = tpu.memref_slice %arg3[%mul3A_164, %dma_start3A_169] : memref<100000x160xf32, #tpu.memory_space<hbm>> -> memref<80x160xf32, #tpu.memory_space<hbm>>
        %dma_start3A_171 = arith.constant 0 : i32
        %dma_start3A_172 = tpu.memref_slice %arg3[%mul3A_164, %dma_start3A_171] : memref<100000x160xf32, #tpu.memory_space<hbm>> -> memref<80x160xf32, #tpu.memory_space<hbm>>
        %dma_start3A_173 = arith.constant 0 : i32
        %dma_start3A_174 = arith.constant 0 : i32
        %dma_start3A_175 = tpu.memref_slice %arg6[%dma_start3A, %dma_start3A_173, %dma_start3A_174] : memref<2x80x160xf32, #tpu.memory_space<vmem>> -> memref<1x80x160xf32, #tpu.memory_space<vmem>>
        %dma_start3A_176 = tpu.memref_squeeze %dma_start3A_175 : memref<1x80x160xf32, #tpu.memory_space<vmem>> -> memref<80x160xf32, #tpu.memory_space<vmem>>
        tpu.enqueue_dma source(%dma_start3A_176 : memref<80x160xf32, #tpu.memory_space<vmem>>) target(%dma_start3A_172 : memref<80x160xf32, #tpu.memory_space<hbm>>) target_semaphore(%arg11 : memref<!tpu.dma_semaphore, #tpu.memory_space<semaphore_mem>>)
        %dma_start3A_177 = arith.constant 1 : i32
        %dma_start3A_178 = arith.constant 0 : i32
        %dma_start3A_179 = arith.constant 0 : i32
        %dma_start3A_180 = tpu.memref_slice %arg7[%dma_start3A_177, %dma_start3A_178, %dma_start3A_179] : memref<2x80x160xf32, #tpu.memory_space<vmem>> -> memref<1x80x160xf32, #tpu.memory_space<vmem>>
        %dma_start3A_181 = tpu.memref_squeeze %dma_start3A_180 : memref<1x80x160xf32, #tpu.memory_space<vmem>> -> memref<80x160xf32, #tpu.memory_space<vmem>>
        %dma_start3A_182 = arith.constant 0 : i32
        %dma_start3A_183 = tpu.memref_slice %arg4[%mul3A_164, %dma_start3A_182] : memref<100000x160xf32, #tpu.memory_space<hbm>> -> memref<80x160xf32, #tpu.memory_space<hbm>>
        %dma_start3A_184 = arith.constant 0 : i32
        %dma_start3A_185 = tpu.memref_slice %arg4[%mul3A_164, %dma_start3A_184] : memref<100000x160xf32, #tpu.memory_space<hbm>> -> memref<80x160xf32, #tpu.memory_space<hbm>>
        %dma_start3A_186 = arith.constant 0 : i32
        %dma_start3A_187 = arith.constant 0 : i32
        %dma_start3A_188 = tpu.memref_slice %arg7[%dma_start3A_177, %dma_start3A_186, %dma_start3A_187] : memref<2x80x160xf32, #tpu.memory_space<vmem>> -> memref<1x80x160xf32, #tpu.memory_space<vmem>>
        %dma_start3A_189 = tpu.memref_squeeze %dma_start3A_188 : memref<1x80x160xf32, #tpu.memory_space<vmem>> -> memref<80x160xf32, #tpu.memory_space<vmem>>
        tpu.enqueue_dma source(%dma_start3A_189 : memref<80x160xf32, #tpu.memory_space<vmem>>) target(%dma_start3A_185 : memref<80x160xf32, #tpu.memory_space<hbm>>) target_semaphore(%arg11 : memref<!tpu.dma_semaphore, #tpu.memory_space<semaphore_mem>>)
      } else {
      }
      %add3A_150 = arith.constant 2 : i32
      %add3A_151 = arith.addi %add3A_103, %add3A_150 : i32
      %mul3A_152 = arith.constant 32 : i32
      %mul3A_153 = arith.muli %add3A_151, %mul3A_152 : i32
      %add3A_154 = arith.addi %add3A, %mul3A_153 : i32
      %ge3A_155 = arith.constant 0 : i32
      %ge3A_156 = arith.cmpi sge, %add3A_151, %ge3A_155 : i32
      %lt3A_157 = arith.constant 1250 : i32
      %lt3A_158 = arith.cmpi slt, %add3A_154, %lt3A_157 : i32
      %and3A_159 = arith.andi %ge3A_156, %lt3A_158 : i1
      %convert_element_type3A_160 = arith.extui %and3A_159 : i1 to i32
      %cond3A_161 = arith.constant 0 : i32
      %cond3A_162 = arith.cmpi ne, %convert_element_type3A_160, %cond3A_161 : i32
      scf.if %cond3A_162 {
        %mul3A_163 = arith.constant 80 : i32
        %mul3A_164 = arith.muli %add3A_154, %mul3A_163 : i32
        %dma_start3A = arith.constant 1 : i32
        %dma_start3A_165 = arith.constant 0 : i32
        %dma_start3A_166 = arith.constant 0 : i32
        %dma_start3A_167 = tpu.memref_slice %arg5[%dma_start3A, %dma_start3A_165, %dma_start3A_166] : memref<2x80x256xf32, #tpu.memory_space<vmem>> -> memref<1x80x256xf32, #tpu.memory_space<vmem>>
        %dma_start3A_168 = tpu.memref_squeeze %dma_start3A_167 : memref<1x80x256xf32, #tpu.memory_space<vmem>> -> memref<80x256xf32, #tpu.memory_space<vmem>>
        %dma_start3A_169 = arith.constant 0 : i32
        %dma_start3A_170 = tpu.memref_slice %arg2[%mul3A_164, %dma_start3A_169] : memref<100000x256xf32, #tpu.memory_space<hbm>> -> memref<80x256xf32, #tpu.memory_space<hbm>>
        %dma_start3A_171 = arith.constant 0 : i32
        %dma_start3A_172 = arith.constant 0 : i32
        %dma_start3A_173 = tpu.memref_slice %arg5[%dma_start3A, %dma_start3A_171, %dma_start3A_172] : memref<2x80x256xf32, #tpu.memory_space<vmem>> -> memref<1x80x256xf32, #tpu.memory_space<vmem>>
        %dma_start3A_174 = tpu.memref_squeeze %dma_start3A_173 : memref<1x80x256xf32, #tpu.memory_space<vmem>> -> memref<80x256xf32, #tpu.memory_space<vmem>>
        %dma_start3A_175 = arith.constant 0 : i32
        %dma_start3A_176 = tpu.memref_slice %arg2[%mul3A_164, %dma_start3A_175] : memref<100000x256xf32, #tpu.memory_space<hbm>> -> memref<80x256xf32, #tpu.memory_space<hbm>>
        tpu.enqueue_dma source(%dma_start3A_176 : memref<80x256xf32, #tpu.memory_space<hbm>>) target(%dma_start3A_174 : memref<80x256xf32, #tpu.memory_space<vmem>>) target_semaphore(%arg9 : memref<!tpu.dma_semaphore, #tpu.memory_space<semaphore_mem>>)
      } else {
      }
    }
    %scan3A_19 = arith.constant 20 : i32
    %add3A_20 = arith.constant 1216 : i32
    %add3A_21 = arith.addi %add3A, %add3A_20 : i32
    %lt3A_22 = arith.constant 1250 : i32
    %lt3A_23 = arith.cmpi slt, %add3A_21, %lt3A_22 : i32
    %and3A_24 = arith.constant true
    %and3A_25 = arith.andi %and3A_24, %lt3A_23 : i1
    %convert_element_type3A_26 = arith.extui %and3A_25 : i1 to i32
    %cond3A_27 = arith.constant 0 : i32
    %cond3A_28 = arith.cmpi ne, %convert_element_type3A_26, %cond3A_27 : i32
    scf.if %cond3A_28 {
      %mul3A_38 = arith.constant 80 : i32
      %mul3A_39 = arith.muli %add3A_21, %mul3A_38 : i32
      %dma_wait3A = arith.constant 0 : i32
      %dma_wait3A_40 = arith.constant 0 : i32
      %dma_wait3A_41 = arith.constant 0 : i32
      %dma_wait3A_42 = tpu.memref_slice %arg6[%dma_wait3A, %dma_wait3A_40, %dma_wait3A_41] : memref<2x80x160xf32, #tpu.memory_space<vmem>> -> memref<1x80x160xf32, #tpu.memory_space<vmem>>
      %dma_wait3A_43 = tpu.memref_squeeze %dma_wait3A_42 : memref<1x80x160xf32, #tpu.memory_space<vmem>> -> memref<80x160xf32, #tpu.memory_space<vmem>>
      %dma_wait3A_44 = arith.constant 0 : i32
      %dma_wait3A_45 = tpu.memref_slice %arg3[%mul3A_39, %dma_wait3A_44] : memref<100000x160xf32, #tpu.memory_space<hbm>> -> memref<80x160xf32, #tpu.memory_space<hbm>>
      %dma_wait3A_46 = arith.constant 0 : i32
      %dma_wait3A_47 = tpu.memref_slice %arg3[%mul3A_39, %dma_wait3A_46] : memref<100000x160xf32, #tpu.memory_space<hbm>> -> memref<80x160xf32, #tpu.memory_space<hbm>>
      %dma_wait3A_48 = arith.constant 0 : i32
      %dma_wait3A_49 = arith.constant 0 : i32
      %dma_wait3A_50 = tpu.memref_slice %arg6[%dma_wait3A, %dma_wait3A_48, %dma_wait3A_49] : memref<2x80x160xf32, #tpu.memory_space<vmem>> -> memref<1x80x160xf32, #tpu.memory_space<vmem>>
      %dma_wait3A_51 = tpu.memref_squeeze %dma_wait3A_50 : memref<1x80x160xf32, #tpu.memory_space<vmem>> -> memref<80x160xf32, #tpu.memory_space<vmem>>
      tpu.wait_dma2 semaphore(%arg10 : memref<!tpu.dma_semaphore, #tpu.memory_space<semaphore_mem>>) src(%dma_wait3A_51 : memref<80x160xf32, #tpu.memory_space<vmem>>) dst(%dma_wait3A_47 : memref<80x160xf32, #tpu.memory_space<hbm>>)
      %dma_wait3A_52 = arith.constant 0 : i32
      %dma_wait3A_53 = arith.constant 0 : i32
      %dma_wait3A_54 = arith.constant 0 : i32
      %dma_wait3A_55 = tpu.memref_slice %arg7[%dma_wait3A_52, %dma_wait3A_53, %dma_wait3A_54] : memref<2x80x160xf32, #tpu.memory_space<vmem>> -> memref<1x80x160xf32, #tpu.memory_space<vmem>>
      %dma_wait3A_56 = tpu.memref_squeeze %dma_wait3A_55 : memref<1x80x160xf32, #tpu.memory_space<vmem>> -> memref<80x160xf32, #tpu.memory_space<vmem>>
      %dma_wait3A_57 = arith.constant 0 : i32
      %dma_wait3A_58 = tpu.memref_slice %arg4[%mul3A_39, %dma_wait3A_57] : memref<100000x160xf32, #tpu.memory_space<hbm>> -> memref<80x160xf32, #tpu.memory_space<hbm>>
      %dma_wait3A_59 = arith.constant 0 : i32
      %dma_wait3A_60 = tpu.memref_slice %arg4[%mul3A_39, %dma_wait3A_59] : memref<100000x160xf32, #tpu.memory_space<hbm>> -> memref<80x160xf32, #tpu.memory_space<hbm>>
      %dma_wait3A_61 = arith.constant 0 : i32
      %dma_wait3A_62 = arith.constant 0 : i32
      %dma_wait3A_63 = tpu.memref_slice %arg7[%dma_wait3A_52, %dma_wait3A_61, %dma_wait3A_62] : memref<2x80x160xf32, #tpu.memory_space<vmem>> -> memref<1x80x160xf32, #tpu.memory_space<vmem>>
      %dma_wait3A_64 = tpu.memref_squeeze %dma_wait3A_63 : memref<1x80x160xf32, #tpu.memory_space<vmem>> -> memref<80x160xf32, #tpu.memory_space<vmem>>
      tpu.wait_dma2 semaphore(%arg10 : memref<!tpu.dma_semaphore, #tpu.memory_space<semaphore_mem>>) src(%dma_wait3A_64 : memref<80x160xf32, #tpu.memory_space<vmem>>) dst(%dma_wait3A_60 : memref<80x160xf32, #tpu.memory_space<hbm>>)
    } else {
    }
    %add3A_29 = arith.constant 1248 : i32
    %add3A_30 = arith.addi %add3A, %add3A_29 : i32
    %lt3A_31 = arith.constant 1250 : i32
    %lt3A_32 = arith.cmpi slt, %add3A_30, %lt3A_31 : i32
    %and3A_33 = arith.constant true
    %and3A_34 = arith.andi %and3A_33, %lt3A_32 : i1
    %convert_element_type3A_35 = arith.extui %and3A_34 : i1 to i32
    %cond3A_36 = arith.constant 0 : i32
    %cond3A_37 = arith.cmpi ne, %convert_element_type3A_35, %cond3A_36 : i32
    scf.if %cond3A_37 {
      %mul3A_38 = arith.constant 80 : i32
      %mul3A_39 = arith.muli %add3A_30, %mul3A_38 : i32
      %dma_wait3A = arith.constant 1 : i32
      %dma_wait3A_40 = arith.constant 0 : i32
      %dma_wait3A_41 = arith.constant 0 : i32
      %dma_wait3A_42 = tpu.memref_slice %arg6[%dma_wait3A, %dma_wait3A_40, %dma_wait3A_41] : memref<2x80x160xf32, #tpu.memory_space<vmem>> -> memref<1x80x160xf32, #tpu.memory_space<vmem>>
      %dma_wait3A_43 = tpu.memref_squeeze %dma_wait3A_42 : memref<1x80x160xf32, #tpu.memory_space<vmem>> -> memref<80x160xf32, #tpu.memory_space<vmem>>
      %dma_wait3A_44 = arith.constant 0 : i32
      %dma_wait3A_45 = tpu.memref_slice %arg3[%mul3A_39, %dma_wait3A_44] : memref<100000x160xf32, #tpu.memory_space<hbm>> -> memref<80x160xf32, #tpu.memory_space<hbm>>
      %dma_wait3A_46 = arith.constant 0 : i32
      %dma_wait3A_47 = tpu.memref_slice %arg3[%mul3A_39, %dma_wait3A_46] : memref<100000x160xf32, #tpu.memory_space<hbm>> -> memref<80x160xf32, #tpu.memory_space<hbm>>
      %dma_wait3A_48 = arith.constant 0 : i32
      %dma_wait3A_49 = arith.constant 0 : i32
      %dma_wait3A_50 = tpu.memref_slice %arg6[%dma_wait3A, %dma_wait3A_48, %dma_wait3A_49] : memref<2x80x160xf32, #tpu.memory_space<vmem>> -> memref<1x80x160xf32, #tpu.memory_space<vmem>>
      %dma_wait3A_51 = tpu.memref_squeeze %dma_wait3A_50 : memref<1x80x160xf32, #tpu.memory_space<vmem>> -> memref<80x160xf32, #tpu.memory_space<vmem>>
      tpu.wait_dma2 semaphore(%arg11 : memref<!tpu.dma_semaphore, #tpu.memory_space<semaphore_mem>>) src(%dma_wait3A_51 : memref<80x160xf32, #tpu.memory_space<vmem>>) dst(%dma_wait3A_47 : memref<80x160xf32, #tpu.memory_space<hbm>>)
      %dma_wait3A_52 = arith.constant 1 : i32
      %dma_wait3A_53 = arith.constant 0 : i32
      %dma_wait3A_54 = arith.constant 0 : i32
      %dma_wait3A_55 = tpu.memref_slice %arg7[%dma_wait3A_52, %dma_wait3A_53, %dma_wait3A_54] : memref<2x80x160xf32, #tpu.memory_space<vmem>> -> memref<1x80x160xf32, #tpu.memory_space<vmem>>
      %dma_wait3A_56 = tpu.memref_squeeze %dma_wait3A_55 : memref<1x80x160xf32, #tpu.memory_space<vmem>> -> memref<80x160xf32, #tpu.memory_space<vmem>>
      %dma_wait3A_57 = arith.constant 0 : i32
      %dma_wait3A_58 = tpu.memref_slice %arg4[%mul3A_39, %dma_wait3A_57] : memref<100000x160xf32, #tpu.memory_space<hbm>> -> memref<80x160xf32, #tpu.memory_space<hbm>>
      %dma_wait3A_59 = arith.constant 0 : i32
      %dma_wait3A_60 = tpu.memref_slice %arg4[%mul3A_39, %dma_wait3A_59] : memref<100000x160xf32, #tpu.memory_space<hbm>> -> memref<80x160xf32, #tpu.memory_space<hbm>>
      %dma_wait3A_61 = arith.constant 0 : i32
      %dma_wait3A_62 = arith.constant 0 : i32
      %dma_wait3A_63 = tpu.memref_slice %arg7[%dma_wait3A_52, %dma_wait3A_61, %dma_wait3A_62] : memref<2x80x160xf32, #tpu.memory_space<vmem>> -> memref<1x80x160xf32, #tpu.memory_space<vmem>>
      %dma_wait3A_64 = tpu.memref_squeeze %dma_wait3A_63 : memref<1x80x160xf32, #tpu.memory_space<vmem>> -> memref<80x160xf32, #tpu.memory_space<vmem>>
      tpu.wait_dma2 semaphore(%arg11 : memref<!tpu.dma_semaphore, #tpu.memory_space<semaphore_mem>>) src(%dma_wait3A_64 : memref<80x160xf32, #tpu.memory_space<vmem>>) dst(%dma_wait3A_60 : memref<80x160xf32, #tpu.memory_space<hbm>>)
    } else {
    }
    return
  }
}

</mosaic_0001>

<sc_bundles>
// kernel: kernel.3.cloned.1.call-start
scs
__scs_entry_jumppad:
0x0: {  	(pc) =	sbr.rel $0x88, $3  }
0x1: {  	(tag) =	ssettag $0x0;
	lr =	simm.s32 $0x1  }
0x2: {  	[smem:$0x3FA0] =	sst lr;
	_ =	strace $0xD0000000  }
0x3: {  	_ = 	snop  }
0x4: {  	_ = 	snop  }
0x5: {  	_ = 	snop  }
0x6: {  	_ = 	snop  }
0x7: {  	_ = 	snop  }
__scs_overlays_trampoline_lowered:
0x8: {  	[smem:$0x3FAF] =	sst s0  }
0x9: {  	[smem:$0x3FB0] =	sst s1  }
0xa: {  	[smem:$0x3FB1] =	sst s2  }
0xb: {  	[smem:$0x3FB2] =	sst s3  }
0xc: {  	[smem:$0x3FB3] =	sst s4  }
0xd: {  	[smem:$0x3FB4] =	sst s5  }
0xe: {  	[smem:$0x3FB5] =	sst s6  }
0xf: {  	[smem:$0x3FB6] =	sst s7  }
0x10: {  	[smem:$0x3FB7] =	sst s8  }
0x11: {  	[smem:$0x3FB8] =	sst s9;
	s0 =	simm.s32 @!p0 $0x0  }
0x12: {  	s1 =	sld [smem:$0x3F9E];
	s0 =	simm.s32 @p0 $0x1  }
0x13: {  	[smem:$0x3FB9] =	sst s0;
	s0 =	simm.s32 @!p1 $0x0  }
0x14: {  	s2 =	sld [smem:$0x3F9D];
	s0 =	simm.s32 @p1 $0x1  }
0x15: {  	[smem:$0x3FBA] =	sst s0;
	s0 =	simm.s32 @!p2 $0x0  }
0x16: {  	s3 =	sld [smem:$0x3FDB];
	s0 =	simm.s32 @p2 $0x1  }
0x17: {  	s4 =	simm.s32 $0x1BF5;
	[smem:$0x3FBC] =	sst s0  }
0x18: {  	s0 =	sld [smem:$0x3F9F];
	_ =	swait.ge [sflag:s4], $0x0  }
0x19: {  	s7 =	sld [smem:$0x3FA0]  }
0x1a: {  	s8 =	sadd.s32 $0xFFFFE003, lr  }
0x1b: {  	s9 =	sadd.s32 $0xFFFFFEF7, lr;
	s5 =	simm.s32 $0xFFFFFFFF;
	p2 =	slt.u32 s8, $0xFFFFF086  }
0x1c: {  	p1 =	slt.u32 s9, $0xF7A;
	s5 =	simm.s32 @!p2 $0x0  }
0x1d: {  	s5 =	simm.s32 @p1 $0x1;
	p0 =	seq.s32 s7, s2  }
0x1e: {  	s7 =	smul.u32 @!p0 $0xF7A, s2;
	p2 =	seq.s32 @!p0 s5, $0x0  }
0x1f: {  	s9 =	smul.u32 $0xF7A, s1;
	s8 =	simm.s32 @!p0 $0x1BF5;
	p2 =	por !p2, p0  }
0x20: {  	[sflag:s8] =	ssyncset.s32 @!p0 $0xFFFFF086;
	s6 =	sadd.s32 @!p0 s3, s7;
	s7 =	simm.s32 @!p0 $0x108  }
0x21: {  	s3 =	sadd.s32 s3, s9;
	s6 =	sadd.s32 @!p0 $0x88, s6;
	s7 =	simm.s32 @p2 $0x1082  }
0x22: {  	[simem:s7], [sflag:s8] =	dma.local @!p0 [hbm:s6], $0xF7A  }
0x23: {  	s9 =	sor.u32 $0xD0000000, s2;
	s6 =	simm.s32 $0x108;
	_ =	swait.ge @!p0 [sflag:s8], $0x0  }
0x24: {  	s3 =	sadd.s32 $0x88, s3;
	s6 =	simm.s32 @!p1 $0x1082;
	[sflag:s4] =	ssyncset.s32 $0xFFFFF086  }
0x25: {  	[simem:s6], [sflag:s4] =	dma.local [hbm:s3], $0xF7A  }
0x26: {  	[smem:$0x3FA0] =	sst s1;
	(tag) =	ssettag s2;
	_ =	strace s9  }
0x27: {  	s1 =	sld [smem:$0x3FB0]  }
0x28: {  	s2 =	sld [smem:$0x3FB1]  }
0x29: {  	s4 =	sld [smem:$0x3FB3]  }
0x2a: {  	p0 =	seq.s32 s5, $0x0;
	s5 =	sld [smem:$0x3FB4]  }
0x2b: {  	s6 =	sld [smem:$0x3FB5]  }
0x2c: {  	s7 =	sld [smem:$0x3FB6]  }
0x2d: {  	s3 =	simm.s32 $0x108;
	s8 =	sld [smem:$0x3FB7]  }
0x2e: {  	s3 =	simm.s32 @!p0 $0x1082;
	s9 =	sld [smem:$0x3FB8]  }
0x2f: {  	lr =	sadd.s32 s0, s3;
	s0 =	sld [smem:$0x3FAF]  }
0x30: {  	s3 =	sld [smem:$0x3FB2]  }
0x31: {  	[smem:$0x3FBB] =	sst s10  }
0x32: {  	s10 =	sld [smem:$0x3FB9];
	_ =	sdelay $0x3  }
0x33: {  	p0 =	seq.s32 s10, $0x1;
	s10 =	sld [smem:$0x3FBB];
	_ =	sdelay $0x3  }
0x34: {  	[smem:$0x3FBB] =	sst s10  }
0x35: {  	s10 =	sld [smem:$0x3FBA];
	_ =	sdelay $0x3  }
0x36: {  	p1 =	seq.s32 s10, $0x1;
	s10 =	sld [smem:$0x3FBB];
	_ =	sdelay $0x3  }
0x37: {  	[smem:$0x3FBB] =	sst s10  }
0x38: {  	s10 =	sld [smem:$0x3FBC]  }
0x39: {  	_ = 	snop;
	(pc) =	sbr.ind lr, $3  }
0x3a: {  	_ = 	snop  }
0x3b: {  	_ = 	snop  }
0x3c: {  	p2 =	seq.s32 s10, $0x1;
	s10 =	sld [smem:$0x3FBB]  }
0x3d: {  	_ =	shalt  }
0x3e: {  	_ =	shalt  }
0x3f: {  	_ =	shalt  }
0x40: {  	_ =	shalt  }
0x41: {  	_ =	shalt  }
0x42: {  	_ =	shalt  }
0x43: {  	_ =	shalt  }
0x44: {  	_ =	shalt  }
0x45: {  	_ =	shalt  }
0x46: {  	_ =	shalt  }
0x47: {  	_ =	shalt  }
0x48: {  	_ =	shalt  }
0x49: {  	_ =	shalt  }
0x4a: {  	_ =	shalt  }
0x4b: {  	_ =	shalt  }
0x4c: {  	_ =	shalt  }
0x4d: {  	_ =	shalt  }
0x4e: {  	_ =	shalt  }
0x4f: {  	_ =	shalt  }
0x50: {  	_ =	shalt  }
0x51: {  	_ =	shalt  }
0x52: {  	_ =	shalt  }
0x53: {  	_ =	shalt  }
0x54: {  	_ =	shalt  }
0x55: {  	_ =	shalt  }
0x56: {  	_ =	shalt  }
0x57: {  	_ =	shalt  }
0x58: {  	_ =	shalt  }
0x59: {  	_ =	shalt  }
0x5a: {  	_ =	shalt  }
0x5b: {  	_ =	shalt  }
0x5c: {  	_ =	shalt  }
0x5d: {  	_ =	shalt  }
0x5e: {  	_ =	shalt  }
0x5f: {  	_ =	shalt  }
0x60: {  	_ =	shalt  }
0x61: {  	_ =	shalt  }
0x62: {  	_ =	shalt  }
0x63: {  	_ =	shalt  }
0x64: {  	_ =	shalt  }
0x65: {  	_ =	shalt  }
0x66: {  	_ =	shalt  }
0x67: {  	_ =	shalt  }
0x68: {  	_ =	shalt  }
0x69: {  	_ =	shalt  }
0x6a: {  	_ =	shalt  }
0x6b: {  	_ =	shalt  }
0x6c: {  	_ =	shalt  }
0x6d: {  	_ =	shalt  }
0x6e: {  	_ =	shalt  }
0x6f: {  	_ =	shalt  }
0x70: {  	_ =	shalt  }
0x71: {  	_ =	shalt  }
0x72: {  	_ =	shalt  }
0x73: {  	_ =	shalt  }
0x74: {  	_ =	shalt  }
0x75: {  	_ =	shalt  }
0x76: {  	_ =	shalt  }
0x77: {  	_ =	shalt  }
0x78: {  	_ =	shalt  }
0x79: {  	_ =	shalt  }
0x7a: {  	_ =	shalt  }
0x7b: {  	_ =	shalt  }
0x7c: {  	_ =	shalt  }
0x7d: {  	_ =	shalt  }
0x7e: {  	_ =	shalt  }
0x7f: {  	_ =	shalt  }
0x80: {  	_ =	shalt  }
0x81: {  	_ =	shalt  }
0x82: {  	_ =	shalt  }
0x83: {  	_ =	shalt  }
0x84: {  	_ =	shalt  }
0x85: {  	_ =	shalt  }
0x86: {  	_ =	shalt  }
0x87: {  	_ =	shalt  }
.Lfunc_end0:
.L_simem_size_0:
called_computation_lowered:
.L_overlay_start_0:
0x88: {  	s2 =	sld [smem:$0x3FD9]  }
0x89: {  	s3 =	sld [smem:$0x3FFE];
	_ =	sdelay $0x1  }
0x8a: {  	s1 =	srdreg.scid  }
0x8b: {  	s0 =	sand.u32 $0x1, s1  }
0x8c: {  	s17 =	sshll.u32 s0, $0xA;
	s2 =	sadd.s32 s3, s2  }
0x8d: {  	s2 =	sadd.s32 s2, s17  }
0x8e: {  	[smem:$0x3FC7] =	sst s2  }
0x8f: {  	_ = 	snop  }
0x90: {  	s2 =	sld [smem:$0x3FC9];
	(tm) =	ssettm $0x1  }
0x91: {  	s18 =	sld [smem:$0x3FFB];
	_ =	sdelay $0x3  }
0x92: {  	_ =	strace s18  }
0x93: {  	s3 =	sld [smem:$0x3FFC];
	_ =	sdelay $0x3  }
0x94: {  	_ =	strace s3  }
0x95: {  	s3 =	sld [smem:$0x3FFD];
	_ =	sdelay $0x3  }
0x96: {  	_ =	strace s3  }
0x97: {  	_ =	strace $0x8FFFFFFF  }
0x98: {  	s19 =	sld [smem:$0x3FDB];
	_ =	sdelay $0x1  }
0x99: {  	s4 =	simm.s32 $_scs_section_size  }
0x9a: {  	s5 =	simm.s32 $_size__tile_overlayer_lowered;
	s6 =	simm.s32 $_tile_overlayer_lowered  }
0x9b: {  	s22 =	simm.s32 $0x1BFF;
	s21 =	sshll.u32 s6, $0x1;
	s3 =	sadd.s32 s4, s19  }
0x9c: {  	s7 =	simm.s32 $0x0;
	s20 =	sshll.u32 s5, $0x1;
	s5 =	sadd.s32 s21, s3  }
0x9d: {  	[timem:s7], [sflag:s22] =	dma.local [hbm:s5], s20  }
0x9e: {  	_ =	swait.ge [sflag:s22], s20  }
0x9f: {  	s4 =	ssub.s32 $0x0, s20;
	[sflag:s22] =	ssyncset.done $0x0  }
0xa0: {  	[sflag:s22] =	ssyncadd.s32 s4;
	_ =	sdelay $0x1  }
0xa1: {  	s23 =	simm.s32 $0x1B8B  }
0xa2: {  	_ =	swait.ge [sflag:s23], $0x1  }
0xa3: {  	[sflag:s23] =	ssyncset.done $0x0  }
0xa4: {  	s25 =	simm.s32 $0x1B8E;
	s24 =	sld [smem:$0x3FFE];
	[sflag:s23] =	ssyncadd.s32 $0xFFFFFFFF  }
0xa5: {  	s26 =	simm.s32 $execute0_lowered;
	[smem:$0x3FD2] =	sst s25  }
0xa6: {  	s5 =	sshll.u32 s26, $0x1;
	_ =	strace $0x80000046;
	[dreg:$0x1] =	wrdreg $0xFFFFFFFF  }
0xa7: {  	s28 =	simm.s32 $_size_execute0_lowered;
	s3 =	sadd.s32 s3, s5;
	[dreg:$0x0] =	wrdreg $0x0  }
0xa8: {  	s5 =	sshll.u32 s28, $0x1;
	[dreg:$0x2] =	wrdreg s3  }
0xa9: {  	[dreg:$0x3] =	wrdreg s5  }
0xaa: {  	[dreg:$0x4] =	wrdreg $0xC0  }
0xab: {  	_ =	task [dreg:s7], $0x5FFFF  }
0xac: {  	[dreg:$0x1] =	wrdreg $0xFFFFFFFF  }
0xad: {  	[dreg:$0x0] =	wrdreg $0x60  }
0xae: {  	[dreg:$0x2] =	wrdreg s2  }
0xaf: {  	[dreg:$0x3] =	wrdreg s24  }
0xb0: {  	[dreg:$0x4] =	wrdreg $0x9  }
0xb1: {  	_ =	task.clear_ibuf [dreg:s7], $0x5FFFF;
	_ =	strace $0x90000046  }
0xb2: {  	s29 =	simm.s32 $0x9;
	_ =	strace $0x80000048  }
0xb3: {  	_ =	swait.ge [sflag:s29], $0x1  }
0xb4: {  	[sflag:s29] =	ssyncadd.s32 $0xFFFFFFFF  }
0xb5: {  	_ =	strace $0x90000048  }
0xb6: {  	_ =	sfence  }
0xb7: {  	s30 =	sld [smem:$0x0];
	_ =	sdelay $0x2  }
0xb8: {  	s31 =	sshll.u32 s1, $0xD;
	s1 =	sshrl.u32 s1, $0x2  }
0xb9: {  	s3 =	sand.u32 $0x4000, s31;
	s1 =	sadd.s32 s1, s30  }
0xba: {  	s0 =	sor.u32 s3, s0;
	s1 =	sshll.u32 s1, $0x11  }
0xbb: {  	s0 =	sor.u32 s1, s0  }
0xbc: {  	s0 =	sadd.s32 $0x8F2B, s0  }
0xbd: {  	[sflag:s0] =	ssyncadd.remote.s32 $0x1  }
0xbe: {  	_ =	sfence.sel $0xFFFF  }
0xbf: {  	[dreg:$0x0] =	wrdreg $0xFFFFFFFF;
	(pc) =	sbr.abs _section_cstart, $3  }
0xc0: {  	[dreg:$0x1] =	wrdreg $0xFFFFFFFF  }
0xc1: {  	_ =	task.clear_ibuf [dreg:s7], $0x2FFFF;
	_ =	strace $0x9FFFFFFF  }
0xc2: {  	(tm) =	ssettm $0x7FFFFFFF  }
0xc3: {  	_ =	shalt  }
tec
execute0_lowered:
.L_overlay_start_1:
0x0: {  	(tag) =	ssettag $0x1  }
0x1: {  	s0 =	rddreg [dreg:$0x0];
	s1 =	srdreg.scid  }
0x2: {  	s17 =	stileid.u32;
	s5 =	rddreg [dreg:$0x1];
	s2 =	simm.s32 $0x0  }
0x3: {  	s11 =	simm.s32 $0x5000;
	s12 =	simm.s32 $0x1;
	s13 =	simm.s32 $0xA000  }
0x4: {  	s14 =	simm.s32 $0x14000;
	s15 =	simm.s32 $0xF000;
	s16 =	simm.s32 $0x19000  }
0x5: {  	s6 =	sand.u32 $0x1, s1;
	s3 =	sshll.u32 s17, $0x1;
	s1 =	rddreg [dreg:$0x2]  }
0x6: {  	s18 =	simm.s32 $0x0;
	[smem:$0x7FF] =	sst s2;
	s3 =	sor.u32 s6, s3  }
0x7: {  	s4 =	sadd.s32 $0x800, s5;
	s5 =	sadd.s32 $0x30DC00, s5;
	s7 =	smul.u32 $0x5000, s3  }
.Ltmp0:
0x8: {  	p0 =	sne.s32 s17, $0x0;
	s6 =	ssub.s32 $0x2, s6;
	(pc) =	sbr.rel .LBB2_1-.Ltmp0, $4  }
0x9: {  	s17 =	simm.s32 $0x3;
	s8 =	smul.u32 $0xA00, s3;
	s9 =	sshrl.u32 s6, $0x1  }
0xa: {  	_ =	strace $0x80000047;
	s10 =	ssub.s32 s6, s9;
	s7 =	sshrl.u32 s7, $0x3  }
0xb: {  	s9 =	sor.u32 $0x60, s3;
	s6 =	sadd.s32 s0, s8;
	s7 =	sadd.s32 s0, s7  }
0xc: {  	s8 =	sor.u32 $0x40, s3;
	s10 =	smax.u32 s10, $0x1;
	s7 =	sadd.s32 $0x14000, s7  }
.LBB2_9:
0xd: {  	_ =	swait.ge [sflag:s17], $0x5000  }
0xe: {  	[sflag:s17] =	ssyncset.done $0x0  }
0xf: {  	[sflag:s17] =	ssyncadd.s32 $0xFFFFB000  }
0x10: {  	_ =	swait.ge [sflag:s17], $0x5000  }
0x11: {  	[sflag:s17] =	ssyncset.done $0x0  }
0x12: {  	s19 =	simm.s32 @!p0 $0x4;
	s18 =	sadd.s32 $0x1, s18;
	[sflag:s17] =	ssyncadd.s32 $0xFFFFB000  }
0x13: {  	p1 =	sne.s32 s18, s10;
	_ =	swait.ge @!p0 [sflag:s19], $0x5000  }
.Ltmp1:
0x14: {  	[sflag:s19] =	ssyncset.done @!p0 $0x0;
	(pc) =	sbr.rel @!p1 .LBB2_10-.Ltmp1, $4  }
0x15: {  	[sflag:s19] =	ssyncadd.s32 @!p0 $0xFFFFB000  }
0x16: {  	_ =	swait.ge @!p0 [sflag:s19], $0x5000  }
0x17: {  	[sflag:s19] =	ssyncset.done @!p0 $0x0  }
0x18: {  	[sflag:s19] =	ssyncadd.s32 @!p0 $0xFFFFB000  }
.LBB2_1:
.Ltmp2:
0x19: {  	(pc) =	sbr.rel .LBB2_2-.Ltmp2, $4  }
0x1a: {  	_ = 	snop  }
0x1b: {  	[tilespmem:s2], [sflag:$0x1] =	stream.linear.gather [hbm4b:s6+s2], $0x5000, $0x38;
	[tilespmem:$0x1E000] =	vst v63  }
0x1c: {  	s19 =	simm.s32 $0x0  }
0x1d: {  	[tilespmem:s11], [sflag:$0x2] =	stream.linear.gather [hbm4b:s7+s2], $0x5000, $0x38;
	[tilespmem:$0x1E000] =	vst v63  }
.LBB2_8:
0x1e: {  	s20 =	sadd.s32 s9, s20  }
0x1f: {  	p1 =	sgt.u32 s20, $0x4E1  }
0x20: {  	s20 =	smul.u32 @!p1 $0xA00, s20  }
0x21: {  	s19 =	sadd.s32 $0x1, s19  }
0x22: {  	s21 =	simm.s32 @!p1 $0x0;
	s22 =	simm.s32 @!p1 $0x5000;
	s20 =	sadd.s32 @!p1 s0, s20  }
0x23: {  	[tilespmem:s22], [sflag:$0x2] =	stream.linear.gather @!p1 [hbm4b:s20+s21], $0x5000, $0x38;
	[tilespmem:$0x1E000] =	vst v63  }
0x24: {  	p1 =	sne.s32 s19, $0x14  }
.Ltmp3:
0x25: {  	_ = 	snop;
	(pc) =	sbr.rel @!p1 .LBB2_9-.Ltmp3, $1  }
0x26: {  	_ =	sdelay $0x3  }
.LBB2_2:
0x27: {  	_ =	swait.ge [sflag:s12], $0x5000  }
0x28: {  	p1 =	seq.s32 s19, $0x0;
	[sflag:s12] =	ssyncset.done $0x0  }
0x29: {  	s22 =	simm.s32 @!p1 $0x3;
	[sflag:s12] =	ssyncadd.s32 $0xFFFFB000  }
0x2a: {  	_ =	swait.ge @!p1 [sflag:s22], $0x5000  }
0x2b: {  	[sflag:s22] =	ssyncset.done @!p1 $0x0  }
0x2c: {  	[sflag:s22] =	ssyncadd.s32 @!p1 $0xFFFFB000  }
0x2d: {  	_ =	swait.ge @!p1 [sflag:s22], $0x5000  }
0x2e: {  	s20 =	sshll.u32 s19, $0x6;
	[sflag:s22] =	ssyncset.done @!p1 $0x0  }
0x2f: {  	s21 =	sor.u32 s3, s20;
	[sflag:s22] =	ssyncadd.s32 @!p1 $0xFFFFB000;
	s22 =	simm.s32 $0x0  }
.LBB2_3:
0x30: {  	s23 =	sshll.u32 s22, $0x8  }
0x31: {  	v0 =	vld [tilespmem:s23+$0x0]  }
0x32: {  	v1 =	vld [tilespmem:s23+$0x10]  }
0x33: {  	v2 =	vld [tilespmem:s23+$0x20]  }
0x34: {  	v3 =	vld [tilespmem:s23+$0x30]  }
0x35: {  	v4 =	vld [tilespmem:s23+$0x40]  }
0x36: {  	v7 =	vld [tilespmem:s23+$0x50]  }
0x37: {  	v50 =	vld [tilespmem:s23+$0x60]  }
0x38: {  	v51 =	vld [tilespmem:s23+$0x70]  }
0x39: {  	v52 =	vld [tilespmem:s23+$0x420]  }
0x3a: {  	v53 =	vld [tilespmem:s23+$0x430]  }
0x3b: {  	v54 =	vld [tilespmem:s23+$0x440]  }
0x3c: {  	v55 =	vld [tilespmem:s23+$0x450]  }
0x3d: {  	v56 =	vld [tilespmem:s23+$0x460]  }
0x3e: {  	v57 =	vld [tilespmem:s23+$0x470]  }
0x3f: {  	v58 =	vld [tilespmem:s23+$0x80]  }
0x40: {  	v59 =	vld [tilespmem:s23+$0x90]  }
0x41: {  	v60 =	vld [tilespmem:s23+$0xA0]  }
0x42: {  	v61 =	vld [tilespmem:s23+$0xB0]  }
0x43: {  	v62 =	vld [tilespmem:s23+$0xC0]  }
0x44: {  	v13 =	vld [tilespmem:s23+$0xD0]  }
0x45: {  	v14 =	vld [tilespmem:s23+$0xE0]  }
0x46: {  	s24 =	sor.u32 $0x400, s23;
	v15 =	vld [tilespmem:s23+$0xF0]  }
0x47: {  	s28 =	sor.u32 $0x410, s23;
	v5 =	vld [tilespmem:s24+$0x0]  }
0x48: {  	v6 =	vld [tilespmem:s28+$0x0];
	[tilespmem:s23+$0xA000] =	vst v0  }
0x49: {  	v16 =	vld [tilespmem:s23+$0x4A0];
	[tilespmem:s23+$0xA010] =	vst v1  }
0x4a: {  	v17 =	vld [tilespmem:s23+$0x4B0];
	[tilespmem:s23+$0xA020] =	vst v2  }
0x4b: {  	v18 =	vld [tilespmem:s23+$0x4C0];
	[tilespmem:s23+$0xA030] =	vst v3  }
0x4c: {  	v19 =	vld [tilespmem:s23+$0x4D0];
	[tilespmem:s23+$0xA040] =	vst v4  }
0x4d: {  	v8 =	vld [tilespmem:s23+$0x4E0];
	[tilespmem:s23+$0xA050] =	vst v7  }
0x4e: {  	v9 =	vld [tilespmem:s23+$0x4F0];
	[tilespmem:s23+$0xA060] =	vst v50  }
0x4f: {  	v30 =	vld [tilespmem:s23+$0x520];
	[tilespmem:s23+$0xA070] =	vst v51  }
0x50: {  	v31 =	vld [tilespmem:s23+$0x530];
	[tilespmem:s23+$0x14000] =	vst v50  }
0x51: {  	v32 =	vld [tilespmem:s23+$0x540];
	[tilespmem:s23+$0x14010] =	vst v51  }
0x52: {  	v33 =	vld [tilespmem:s23+$0x550];
	[tilespmem:s23+$0x14040] =	vst v52  }
0x53: {  	v34 =	vld [tilespmem:s23+$0x560];
	[tilespmem:s23+$0x14050] =	vst v53  }
0x54: {  	v35 =	vld [tilespmem:s23+$0x570];
	[tilespmem:s23+$0x14060] =	vst v54  }
0x55: {  	v46 =	vld [tilespmem:s23+$0x5A0];
	[tilespmem:s23+$0x14070] =	vst v55  }
0x56: {  	s29 =	sor.u32 $0x480, s23;
	v47 =	vld [tilespmem:s23+$0x5B0];
	[tilespmem:s23+$0x14400] =	vst v56  }
0x57: {  	s30 =	sor.u32 $0x490, s23;
	v63 =	vld [tilespmem:s29+$0x0];
	[tilespmem:s23+$0x14410] =	vst v57  }
0x58: {  	v12 =	vld [tilespmem:s30+$0x0];
	[tilespmem:s23+$0xA080] =	vst v58  }
0x59: {  	v48 =	vld [tilespmem:s23+$0x5C0];
	[tilespmem:s23+$0xA090] =	vst v59  }
0x5a: {  	s31 =	sor.u32 $0x100, s23;
	v49 =	vld [tilespmem:s23+$0x5D0];
	[tilespmem:s23+$0xA0A0] =	vst v60  }
0x5b: {  	s25 =	sor.u32 $0x110, s23;
	v20 =	vld [tilespmem:s31+$0x0];
	[tilespmem:s23+$0xA0B0] =	vst v61  }
0x5c: {  	s26 =	sor.u32 $0x120, s23;
	v21 =	vld [tilespmem:s25+$0x0];
	[tilespmem:s23+$0xA0C0] =	vst v62  }
0x5d: {  	v22 =	vld [tilespmem:s26+$0x0];
	s28 =	sor.u32 $0x130, s23;
	[tilespmem:s23+$0xA0D0] =	vst v13  }
0x5e: {  	s29 =	sor.u32 $0x140, s23;
	v23 =	vld [tilespmem:s28+$0x0];
	[tilespmem:s23+$0xA0E0] =	vst v14  }
0x5f: {  	s30 =	sor.u32 $0x150, s23;
	v24 =	vld [tilespmem:s29+$0x0];
	[tilespmem:s23+$0xA0F0] =	vst v15  }
0x60: {  	s31 =	sor.u32 $0x160, s23;
	v25 =	vld [tilespmem:s30+$0x0];
	[tilespmem:s23+$0x14080] =	vst v14  }
0x61: {  	s25 =	sor.u32 $0x170, s23;
	v26 =	vld [tilespmem:s31+$0x0];
	[tilespmem:s23+$0x14090] =	vst v15  }
0x62: {  	s26 =	sor.u32 $0x500, s23;
	v27 =	vld [tilespmem:s25+$0x0];
	[tilespmem:s23+$0x140C0] =	vst v16  }
0x63: {  	v28 =	vld [tilespmem:s26+$0x0];
	s28 =	sor.u32 $0x510, s23;
	[tilespmem:s23+$0x140D0] =	vst v17  }
0x64: {  	s29 =	sor.u32 $0x180, s23;
	v29 =	vld [tilespmem:s28+$0x0];
	[tilespmem:s23+$0x140E0] =	vst v18  }
0x65: {  	s30 =	sor.u32 $0x190, s23;
	v36 =	vld [tilespmem:s29+$0x0];
	[tilespmem:s23+$0x140F0] =	vst v19  }
0x66: {  	s31 =	sor.u32 $0x1A0, s23;
	v37 =	vld [tilespmem:s30+$0x0];
	[tilespmem:s23+$0x14480] =	vst v8  }
0x67: {  	s25 =	sor.u32 $0x1B0, s23;
	v38 =	vld [tilespmem:s31+$0x0];
	[tilespmem:s23+$0x14490] =	vst v9  }
0x68: {  	s26 =	sor.u32 $0x1C0, s23;
	v39 =	vld [tilespmem:s25+$0x0];
	[tilespmem:s23+$0x14140] =	vst v30  }
0x69: {  	v40 =	vld [tilespmem:s26+$0x0];
	s28 =	sor.u32 $0x1D0, s23;
	[tilespmem:s23+$0x14150] =	vst v31  }
0x6a: {  	s29 =	sor.u32 $0x1E0, s23;
	v41 =	vld [tilespmem:s28+$0x0];
	[tilespmem:s23+$0x14160] =	vst v32  }
0x6b: {  	s30 =	sor.u32 $0x1F0, s23;
	v42 =	vld [tilespmem:s29+$0x0];
	[tilespmem:s23+$0x14170] =	vst v33  }
0x6c: {  	s31 =	sor.u32 $0x580, s23;
	v43 =	vld [tilespmem:s30+$0x0];
	[tilespmem:s23+$0x14500] =	vst v34  }
0x6d: {  	s25 =	sor.u32 $0x590, s23;
	v44 =	vld [tilespmem:s31+$0x0];
	[tilespmem:s23+$0x14510] =	vst v35  }
0x6e: {  	v45 =	vld [tilespmem:s25+$0x0];
	[tilespmem:s23+$0x141C0] =	vst v46  }
0x6f: {  	[tilespmem:s23+$0x141D0] =	vst v47  }
0x70: {  	[tilespmem:s23+$0x141E0] =	vst v48  }
0x71: {  	[tilespmem:s23+$0x141F0] =	vst v49  }
0x72: {  	[tilespmem:s23+$0xA400] =	vst v5  }
0x73: {  	[tilespmem:s23+$0xA410] =	vst v6  }
0x74: {  	[tilespmem:s23+$0x14020] =	vst v5  }
0x75: {  	[tilespmem:s23+$0x14030] =	vst v6  }
0x76: {  	[tilespmem:s23+$0xA480] =	vst v63  }
0x77: {  	[tilespmem:s23+$0xA490] =	vst v12  }
0x78: {  	[tilespmem:s23+$0x140A0] =	vst v63  }
0x79: {  	[tilespmem:s23+$0x140B0] =	vst v12  }
0x7a: {  	[tilespmem:s23+$0xA100] =	vst v20  }
0x7b: {  	[tilespmem:s23+$0xA110] =	vst v21  }
0x7c: {  	[tilespmem:s23+$0xA120] =	vst v22  }
0x7d: {  	v50 =	vld [tilespmem:s23+$0x5E0];
	[tilespmem:s23+$0xA130] =	vst v23  }
0x7e: {  	s26 =	sor.u32 $0x200, s23;
	v51 =	vld [tilespmem:s23+$0x5F0];
	[tilespmem:s23+$0xA140] =	vst v24  }
0x7f: {  	s28 =	sor.u32 $0x210, s23;
	v52 =	vld [tilespmem:s26+$0x0];
	[tilespmem:s23+$0xA150] =	vst v25  }
0x80: {  	s29 =	sor.u32 $0x220, s23;
	v53 =	vld [tilespmem:s28+$0x0];
	[tilespmem:s23+$0xA160] =	vst v26  }
0x81: {  	s30 =	sor.u32 $0x230, s23;
	v54 =	vld [tilespmem:s29+$0x0];
	[tilespmem:s23+$0xA170] =	vst v27  }
0x82: {  	s31 =	sor.u32 $0x240, s23;
	v55 =	vld [tilespmem:s30+$0x0];
	[tilespmem:s23+$0xA500] =	vst v28  }
0x83: {  	s25 =	sor.u32 $0x250, s23;
	v56 =	vld [tilespmem:s31+$0x0];
	[tilespmem:s23+$0x14100] =	vst v26  }
0x84: {  	v57 =	vld [tilespmem:s25+$0x0];
	[tilespmem:s23+$0x14110] =	vst v27  }
0x85: {  	v62 =	vld [tilespmem:s23+$0x620];
	[tilespmem:s23+$0x14120] =	vst v28  }
0x86: {  	v13 =	vld [tilespmem:s23+$0x650];
	[tilespmem:s23+$0xA510] =	vst v29  }
0x87: {  	v14 =	vld [tilespmem:s23+$0x660];
	[tilespmem:s23+$0x14130] =	vst v29  }
0x88: {  	v15 =	vld [tilespmem:s23+$0x670];
	[tilespmem:s23+$0xA180] =	vst v36  }
0x89: {  	v30 =	vld [tilespmem:s23+$0x6E0];
	[tilespmem:s23+$0xA190] =	vst v37  }
0x8a: {  	v31 =	vld [tilespmem:s23+$0x6F0];
	[tilespmem:s23+$0xA1A0] =	vst v38  }
0x8b: {  	v46 =	vld [tilespmem:s23+$0x760];
	[tilespmem:s23+$0xA1B0] =	vst v39  }
0x8c: {  	s26 =	sor.u32 $0x260, s23;
	v47 =	vld [tilespmem:s23+$0x770];
	[tilespmem:s23+$0xA1C0] =	vst v40  }
0x8d: {  	s28 =	sor.u32 $0x270, s23;
	v58 =	vld [tilespmem:s26+$0x0];
	[tilespmem:s23+$0xA1D0] =	vst v41  }
0x8e: {  	s29 =	sor.u32 $0x600, s23;
	v59 =	vld [tilespmem:s28+$0x0];
	[tilespmem:s23+$0xA1E0] =	vst v42  }
0x8f: {  	s30 =	sor.u32 $0x610, s23;
	v60 =	vld [tilespmem:s29+$0x0];
	[tilespmem:s23+$0xA1F0] =	vst v43  }
0x90: {  	s31 =	sor.u32 $0x280, s23;
	v61 =	vld [tilespmem:s30+$0x0];
	[tilespmem:s23+$0xA580] =	vst v44  }
0x91: {  	s25 =	sor.u32 $0x290, s23;
	v16 =	vld [tilespmem:s31+$0x0];
	[tilespmem:s23+$0xA590] =	vst v45  }
0x92: {  	v17 =	vld [tilespmem:s25+$0x0];
	s26 =	sor.u32 $0x2A0, s23;
	[tilespmem:s23+$0x14180] =	vst v42  }
0x93: {  	s28 =	sor.u32 $0x2B0, s23;
	v18 =	vld [tilespmem:s26+$0x0];
	[tilespmem:s23+$0x14190] =	vst v43  }
0x94: {  	s29 =	sor.u32 $0x2C0, s23;
	v19 =	vld [tilespmem:s28+$0x0];
	[tilespmem:s23+$0x141A0] =	vst v44  }
0x95: {  	s30 =	sor.u32 $0x2D0, s23;
	v20 =	vld [tilespmem:s29+$0x0];
	[tilespmem:s23+$0x141B0] =	vst v45  }
0x96: {  	s31 =	sor.u32 $0x2E0, s23;
	v21 =	vld [tilespmem:s30+$0x0];
	[tilespmem:s23+$0x14580] =	vst v50  }
0x97: {  	s25 =	sor.u32 $0x2F0, s23;
	v22 =	vld [tilespmem:s31+$0x0];
	[tilespmem:s23+$0x14590] =	vst v51  }
0x98: {  	v23 =	vld [tilespmem:s25+$0x0];
	s26 =	sor.u32 $0x680, s23;
	[tilespmem:s23+$0xA200] =	vst v52  }
0x99: {  	s28 =	sor.u32 $0x690, s23;
	v24 =	vld [tilespmem:s26+$0x0];
	[tilespmem:s23+$0xA210] =	vst v53  }
0x9a: {  	s29 =	sor.u32 $0x300, s23;
	v25 =	vld [tilespmem:s28+$0x0];
	[tilespmem:s23+$0xA220] =	vst v54  }
0x9b: {  	s30 =	sor.u32 $0x310, s23;
	v32 =	vld [tilespmem:s29+$0x0];
	[tilespmem:s23+$0xA230] =	vst v55  }
0x9c: {  	s31 =	sor.u32 $0x320, s23;
	v33 =	vld [tilespmem:s30+$0x0];
	[tilespmem:s23+$0xA240] =	vst v56  }
0x9d: {  	s25 =	sor.u32 $0x330, s23;
	v34 =	vld [tilespmem:s31+$0x0];
	[tilespmem:s23+$0xA250] =	vst v57  }
0x9e: {  	v35 =	vld [tilespmem:s25+$0x0];
	s26 =	sor.u32 $0x340, s23;
	[tilespmem:s23+$0x14240] =	vst v62  }
0x9f: {  	s28 =	sor.u32 $0x350, s23;
	v36 =	vld [tilespmem:s26+$0x0];
	[tilespmem:s23+$0x14270] =	vst v13  }
0xa0: {  	s29 =	sor.u32 $0x360, s23;
	v37 =	vld [tilespmem:s28+$0x0];
	[tilespmem:s23+$0x14600] =	vst v14  }
0xa1: {  	s30 =	sor.u32 $0x370, s23;
	v38 =	vld [tilespmem:s29+$0x0];
	[tilespmem:s23+$0x14610] =	vst v15  }
0xa2: {  	s31 =	sor.u32 $0x700, s23;
	v39 =	vld [tilespmem:s30+$0x0];
	[tilespmem:s23+$0x14680] =	vst v30  }
0xa3: {  	s25 =	sor.u32 $0x710, s23;
	v40 =	vld [tilespmem:s31+$0x0];
	[tilespmem:s23+$0x14690] =	vst v31  }
0xa4: {  	v41 =	vld [tilespmem:s25+$0x0];
	[tilespmem:s23+$0x14700] =	vst v46  }
0xa5: {  	[tilespmem:s23+$0x14710] =	vst v47  }
0xa6: {  	[tilespmem:s23+$0xA260] =	vst v58  }
0xa7: {  	[tilespmem:s23+$0xA270] =	vst v59  }
0xa8: {  	[tilespmem:s23+$0xA600] =	vst v60  }
0xa9: {  	v63 =	vld [tilespmem:s23+$0x630];
	[tilespmem:s23+$0xA610] =	vst v61  }
0xaa: {  	v12 =	vld [tilespmem:s23+$0x640];
	[tilespmem:s23+$0x14200] =	vst v58  }
0xab: {  	[tilespmem:s23+$0x14210] =	vst v59  }
0xac: {  	[tilespmem:s23+$0x14220] =	vst v60  }
0xad: {  	[tilespmem:s23+$0x14230] =	vst v61  }
0xae: {  	[tilespmem:s23+$0x14250] =	vst v63  }
0xaf: {  	[tilespmem:s23+$0x14260] =	vst v12  }
0xb0: {  	[tilespmem:s23+$0xA280] =	vst v16  }
0xb1: {  	[tilespmem:s23+$0xA290] =	vst v17  }
0xb2: {  	[tilespmem:s23+$0xA2A0] =	vst v18  }
0xb3: {  	[tilespmem:s23+$0xA2B0] =	vst v19  }
0xb4: {  	[tilespmem:s23+$0xA2C0] =	vst v20  }
0xb5: {  	v26 =	vld [tilespmem:s23+$0x6A0];
	[tilespmem:s23+$0xA2D0] =	vst v21  }
0xb6: {  	v27 =	vld [tilespmem:s23+$0x6B0];
	[tilespmem:s23+$0xA2E0] =	vst v22  }
0xb7: {  	v28 =	vld [tilespmem:s23+$0x6C0];
	[tilespmem:s23+$0xA2F0] =	vst v23  }
0xb8: {  	[tilespmem:s23+$0x14280] =	vst v22  }
0xb9: {  	[tilespmem:s23+$0x14290] =	vst v23  }
0xba: {  	[tilespmem:s23+$0x142C0] =	vst v26  }
0xbb: {  	[tilespmem:s23+$0x142D0] =	vst v27  }
0xbc: {  	v29 =	vld [tilespmem:s23+$0x6D0];
	[tilespmem:s23+$0x142E0] =	vst v28  }
0xbd: {  	[tilespmem:s23+$0xA680] =	vst v24  }
0xbe: {  	[tilespmem:s23+$0xA690] =	vst v25  }
0xbf: {  	[tilespmem:s23+$0x142A0] =	vst v24  }
0xc0: {  	[tilespmem:s23+$0x142B0] =	vst v25  }
0xc1: {  	[tilespmem:s23+$0x142F0] =	vst v29  }
0xc2: {  	[tilespmem:s23+$0xA300] =	vst v32  }
0xc3: {  	[tilespmem:s23+$0xA310] =	vst v33  }
0xc4: {  	[tilespmem:s23+$0xA320] =	vst v34  }
0xc5: {  	[tilespmem:s23+$0xA330] =	vst v35  }
0xc6: {  	[tilespmem:s23+$0xA340] =	vst v36  }
0xc7: {  	v42 =	vld [tilespmem:s23+$0x720];
	[tilespmem:s23+$0xA350] =	vst v37  }
0xc8: {  	v43 =	vld [tilespmem:s23+$0x730];
	[tilespmem:s23+$0xA360] =	vst v38  }
0xc9: {  	v44 =	vld [tilespmem:s23+$0x740];
	[tilespmem:s23+$0xA370] =	vst v39  }
0xca: {  	v45 =	vld [tilespmem:s23+$0x750];
	s26 =	sor.u32 $0x380, s23;
	[tilespmem:s23+$0xA700] =	vst v40  }
0xcb: {  	s28 =	sor.u32 $0x390, s23;
	v48 =	vld [tilespmem:s26+$0x0];
	[tilespmem:s23+$0xA710] =	vst v41  }
0xcc: {  	s29 =	sor.u32 $0x3A0, s23;
	v49 =	vld [tilespmem:s28+$0x0];
	[tilespmem:s23+$0x14300] =	vst v38  }
0xcd: {  	s30 =	sor.u32 $0x3B0, s23;
	v50 =	vld [tilespmem:s29+$0x0];
	[tilespmem:s23+$0x14310] =	vst v39  }
0xce: {  	s31 =	sor.u32 $0x3C0, s23;
	v51 =	vld [tilespmem:s30+$0x0];
	[tilespmem:s23+$0x14320] =	vst v40  }
0xcf: {  	s25 =	sor.u32 $0x3D0, s23;
	v52 =	vld [tilespmem:s31+$0x0];
	[tilespmem:s23+$0x14330] =	vst v41  }
0xd0: {  	v53 =	vld [tilespmem:s25+$0x0];
	s26 =	sor.u32 $0x3E0, s23;
	[tilespmem:s23+$0x14340] =	vst v42  }
0xd1: {  	s28 =	sor.u32 $0x3F0, s23;
	v54 =	vld [tilespmem:s26+$0x0];
	[tilespmem:s23+$0x14350] =	vst v43  }
0xd2: {  	s29 =	sor.u32 $0x780, s23;
	v55 =	vld [tilespmem:s28+$0x0];
	[tilespmem:s23+$0x14360] =	vst v44  }
0xd3: {  	s30 =	sor.u32 $0x790, s23;
	v56 =	vld [tilespmem:s29+$0x0];
	[tilespmem:s23+$0x14370] =	vst v45  }
0xd4: {  	v57 =	vld [tilespmem:s30+$0x0];
	[tilespmem:s23+$0xA380] =	vst v48  }
0xd5: {  	v62 =	vld [tilespmem:s23+$0x7E0];
	[tilespmem:s23+$0xA390] =	vst v49  }
0xd6: {  	[tilespmem:s23+$0xA3A0] =	vst v50  }
0xd7: {  	[tilespmem:s23+$0xA3B0] =	vst v51  }
0xd8: {  	[tilespmem:s23+$0xA3C0] =	vst v52  }
0xd9: {  	[tilespmem:s23+$0xA3D0] =	vst v53  }
0xda: {  	[tilespmem:s23+$0x14780] =	vst v62  }
0xdb: {  	[tilespmem:s23+$0xA3E0] =	vst v54  }
0xdc: {  	[tilespmem:s23+$0xA3F0] =	vst v55  }
0xdd: {  	[tilespmem:s23+$0xA780] =	vst v56  }
0xde: {  	v58 =	vld [tilespmem:s23+$0x7A0];
	[tilespmem:s23+$0xA790] =	vst v57  }
0xdf: {  	v59 =	vld [tilespmem:s23+$0x7B0];
	[tilespmem:s23+$0x14380] =	vst v54  }
0xe0: {  	v60 =	vld [tilespmem:s23+$0x7C0];
	[tilespmem:s23+$0x14390] =	vst v55  }
0xe1: {  	v61 =	vld [tilespmem:s23+$0x7D0];
	[tilespmem:s23+$0x143A0] =	vst v56  }
0xe2: {  	p2 =	slt.u32 s22, $0x48;
	v63 =	vld [tilespmem:s23+$0x7F0];
	[tilespmem:s23+$0x143B0] =	vst v57  }
.Ltmp4:
0xe3: {  	[tilespmem:s23+$0x143C0] =	vst v58;
	(pc) =	sbr.rel @p2 .LBB2_3-.Ltmp4, $4  }
0xe4: {  	[tilespmem:s23+$0x143D0] =	vst v59  }
0xe5: {  	[tilespmem:s23+$0x143E0] =	vst v60  }
0xe6: {  	s31 =	sadd.s32 $0x8, s22;
	[tilespmem:s23+$0x143F0] =	vst v61  }
0xe7: {  	s22 =	smov.u32 s31;
	[tilespmem:s23+$0x14790] =	vst v63  }
0xe8: {  	s22 =	smul.u32 $0xA00, s21;
	_ =	sdelay $0x1  }
0xe9: {  	s23 =	sadd.s32 s4, s22  }
0xea: {  	[hbm4b:s23+s2] =	stream.linear.scatter [tilespmem:s13], [sflag:$0x3], $0x5000, $0x38;
	[tilespmem:$0x1E000] =	vst v63  }
0xeb: {  	s23 =	sadd.s32 s8, s20  }
0xec: {  	p2 =	sgt.u32 s23, $0x4E1  }
0xed: {  	s22 =	sadd.s32 s5, s22;
	s23 =	smul.u32 @!p2 $0xA00, s23  }
0xee: {  	[hbm4b:s22+s2] =	stream.linear.scatter [tilespmem:s14], [sflag:$0x3], $0x5000, $0x38;
	[tilespmem:$0x1E000] =	vst v63  }
0xef: {  	s21 =	sor.u32 $0x20, s21;
	s22 =	sadd.s32 @!p2 s0, s23;
	s23 =	simm.s32 @!p2 $0x0  }
0xf0: {  	[tilespmem:s23], [sflag:$0x1] =	stream.linear.gather @!p2 [hbm4b:s22+s23], $0x5000, $0x38;
	[tilespmem:$0x1E000] =	vst v63  }
0xf1: {  	p2 =	sgt.u32 s21, $0x4E1  }
0xf2: {  	s22 =	simm.s32 @!p2 $0x2  }
0xf3: {  	_ =	swait.ge @!p2 [sflag:s22], $0x5000  }
0xf4: {  	[sflag:s22] =	ssyncset.done @!p2 $0x0  }
0xf5: {  	[sflag:s22] =	ssyncadd.s32 @!p2 $0xFFFFB000;
	s22 =	simm.s32 @!p1 $0x4  }
0xf6: {  	_ =	swait.ge @!p1 [sflag:s22], $0x5000  }
.Ltmp5:
0xf7: {  	[sflag:s22] =	ssyncset.done @!p1 $0x0;
	(pc) =	sbr.rel @p2 .LBB2_8-.Ltmp5, $4  }
0xf8: {  	[sflag:s22] =	ssyncadd.s32 @!p1 $0xFFFFB000  }
0xf9: {  	_ =	swait.ge @!p1 [sflag:s22], $0x5000  }
0xfa: {  	[sflag:s22] =	ssyncset.done @!p1 $0x0  }
0xfb: {  	[sflag:s22] =	ssyncadd.s32 @!p1 $0xFFFFB000  }
0xfc: {  	s22 =	simm.s32 $0x0  }
0xfd: {  	v0 =	vld [tilespmem:s22+$0x5000]  }
0xfe: {  	v1 =	vld [tilespmem:s22+$0x5010]  }
0xff: {  	v2 =	vld [tilespmem:s22+$0x5020]  }
0x100: {  	v3 =	vld [tilespmem:s22+$0x5030]  }
0x101: {  	v4 =	vld [tilespmem:s22+$0x5040]  }
0x102: {  	v5 =	vld [tilespmem:s22+$0x5050];
	[tilespmem:s22+$0xF000] =	vst v0  }
0x103: {  	v9 =	vld [tilespmem:s22+$0x57F0];
	[tilespmem:s22+$0xF010] =	vst v1  }
0x104: {  	v11 =	vld [tilespmem:s22+$0x5080];
	[tilespmem:s22+$0xF020] =	vst v2  }
0x105: {  	v12 =	vld [tilespmem:s22+$0x5090];
	[tilespmem:s22+$0xF030] =	vst v3  }
0x106: {  	v13 =	vld [tilespmem:s22+$0x50A0];
	[tilespmem:s22+$0xF040] =	vst v4  }
0x107: {  	v14 =	vld [tilespmem:s22+$0x50B0];
	[tilespmem:s22+$0xF050] =	vst v5  }
0x108: {  	v15 =	vld [tilespmem:s22+$0x50C0];
	[tilespmem:s22+$0x19790] =	vst v9  }
0x109: {  	v6 =	vld [tilespmem:s22+$0x5440];
	[tilespmem:s22+$0xF080] =	vst v11  }
0x10a: {  	v16 =	vld [tilespmem:s22+$0x50D0];
	[tilespmem:s22+$0xF090] =	vst v12  }
0x10b: {  	v7 =	vld [tilespmem:s22+$0x5450];
	[tilespmem:s22+$0xF0A0] =	vst v13  }
0x10c: {  	v8 =	vld [tilespmem:s22+$0x5460];
	[tilespmem:s22+$0xF0B0] =	vst v14  }
0x10d: {  	v10 =	vld [tilespmem:s22+$0x5470];
	[tilespmem:s22+$0xF0C0] =	vst v15  }
0x10e: {  	v17 =	vld [tilespmem:s22+$0x50E0];
	[tilespmem:s22+$0x19060] =	vst v6  }
0x10f: {  	v56 =	vld [tilespmem:s22+$0x50F0];
	[tilespmem:s22+$0xF0D0] =	vst v16  }
0x110: {  	[tilespmem:s22+$0x19070] =	vst v7  }
0x111: {  	[tilespmem:s22+$0x19400] =	vst v8  }
0x112: {  	v57 =	vld [tilespmem:s22+$0x5100];
	[tilespmem:s22+$0x19410] =	vst v10  }
0x113: {  	v58 =	vld [tilespmem:s22+$0x5110];
	[tilespmem:s22+$0xF0E0] =	vst v17  }
0x114: {  	v59 =	vld [tilespmem:s22+$0x5120];
	[tilespmem:s22+$0xF0F0] =	vst v56  }
0x115: {  	v60 =	vld [tilespmem:s22+$0x5130];
	[tilespmem:s22+$0x19080] =	vst v17  }
0x116: {  	v61 =	vld [tilespmem:s22+$0x5140];
	[tilespmem:s22+$0x19090] =	vst v56  }
0x117: {  	v62 =	vld [tilespmem:s22+$0x5150];
	[tilespmem:s22+$0xF100] =	vst v57  }
0x118: {  	v63 =	vld [tilespmem:s22+$0x5160];
	[tilespmem:s22+$0xF110] =	vst v58  }
0x119: {  	v20 =	vld [tilespmem:s22+$0x5170];
	[tilespmem:s22+$0xF120] =	vst v59  }
0x11a: {  	[tilespmem:s22+$0xF130] =	vst v60  }
0x11b: {  	[tilespmem:s22+$0xF140] =	vst v61  }
0x11c: {  	v21 =	vld [tilespmem:s22+$0x5180];
	[tilespmem:s22+$0xF150] =	vst v62  }
0x11d: {  	v22 =	vld [tilespmem:s22+$0x5190];
	[tilespmem:s22+$0xF160] =	vst v63  }
0x11e: {  	v23 =	vld [tilespmem:s22+$0x51A0];
	[tilespmem:s22+$0xF170] =	vst v20  }
0x11f: {  	v24 =	vld [tilespmem:s22+$0x51B0];
	[tilespmem:s22+$0x19100] =	vst v63  }
0x120: {  	v25 =	vld [tilespmem:s22+$0x51C0];
	[tilespmem:s22+$0x19110] =	vst v20  }
0x121: {  	v26 =	vld [tilespmem:s22+$0x51D0];
	[tilespmem:s22+$0xF180] =	vst v21  }
0x122: {  	v27 =	vld [tilespmem:s22+$0x51E0];
	[tilespmem:s22+$0xF190] =	vst v22  }
0x123: {  	v28 =	vld [tilespmem:s22+$0x51F0];
	[tilespmem:s22+$0xF1A0] =	vst v23  }
0x124: {  	v29 =	vld [tilespmem:s22+$0x5580];
	[tilespmem:s22+$0xF1B0] =	vst v24  }
0x125: {  	[tilespmem:s22+$0xF1C0] =	vst v25  }
0x126: {  	[tilespmem:s22+$0xF1D0] =	vst v26  }
0x127: {  	[tilespmem:s22+$0xF1E0] =	vst v27  }
0x128: {  	v30 =	vld [tilespmem:s22+$0x5210];
	[tilespmem:s22+$0xF1F0] =	vst v28  }
0x129: {  	v31 =	vld [tilespmem:s22+$0x5220];
	[tilespmem:s22+$0xF580] =	vst v29  }
0x12a: {  	v32 =	vld [tilespmem:s22+$0x5230];
	[tilespmem:s22+$0x19180] =	vst v27  }
0x12b: {  	v33 =	vld [tilespmem:s22+$0x5240];
	[tilespmem:s22+$0x19190] =	vst v28  }
0x12c: {  	v34 =	vld [tilespmem:s22+$0x5250];
	[tilespmem:s22+$0x191A0] =	vst v29  }
0x12d: {  	v35 =	vld [tilespmem:s22+$0x5260];
	[tilespmem:s22+$0xF210] =	vst v30  }
0x12e: {  	v36 =	vld [tilespmem:s22+$0x5270];
	[tilespmem:s22+$0xF220] =	vst v31  }
0x12f: {  	v37 =	vld [tilespmem:s22+$0x5600];
	[tilespmem:s22+$0xF230] =	vst v32  }
0x130: {  	v38 =	vld [tilespmem:s22+$0x5610];
	[tilespmem:s22+$0xF240] =	vst v33  }
0x131: {  	[tilespmem:s22+$0xF250] =	vst v34  }
0x132: {  	[tilespmem:s22+$0xF260] =	vst v35  }
0x133: {  	[tilespmem:s22+$0xF270] =	vst v36  }
0x134: {  	[tilespmem:s22+$0xF600] =	vst v37  }
0x135: {  	v39 =	vld [tilespmem:s22+$0x52A0];
	[tilespmem:s22+$0xF610] =	vst v38  }
0x136: {  	v40 =	vld [tilespmem:s22+$0x52B0];
	[tilespmem:s22+$0x19200] =	vst v35  }
0x137: {  	v41 =	vld [tilespmem:s22+$0x52C0];
	[tilespmem:s22+$0x19210] =	vst v36  }
0x138: {  	v42 =	vld [tilespmem:s22+$0x52D0];
	[tilespmem:s22+$0x19220] =	vst v37  }
0x139: {  	v43 =	vld [tilespmem:s22+$0x52E0];
	[tilespmem:s22+$0x19230] =	vst v38  }
0x13a: {  	v44 =	vld [tilespmem:s22+$0x52F0];
	[tilespmem:s22+$0xF2A0] =	vst v39  }
0x13b: {  	v45 =	vld [tilespmem:s22+$0x5680];
	[tilespmem:s22+$0xF2B0] =	vst v40  }
0x13c: {  	v46 =	vld [tilespmem:s22+$0x5690];
	[tilespmem:s22+$0xF2C0] =	vst v41  }
0x13d: {  	[tilespmem:s22+$0xF2D0] =	vst v42  }
0x13e: {  	[tilespmem:s22+$0xF2E0] =	vst v43  }
0x13f: {  	[tilespmem:s22+$0xF2F0] =	vst v44  }
0x140: {  	[tilespmem:s22+$0xF680] =	vst v45  }
0x141: {  	v47 =	vld [tilespmem:s22+$0x56A0];
	[tilespmem:s22+$0xF690] =	vst v46  }
0x142: {  	v48 =	vld [tilespmem:s22+$0x5330];
	[tilespmem:s22+$0x19280] =	vst v43  }
0x143: {  	v49 =	vld [tilespmem:s22+$0x5340];
	[tilespmem:s22+$0x19290] =	vst v44  }
0x144: {  	v50 =	vld [tilespmem:s22+$0x5350];
	[tilespmem:s22+$0x192A0] =	vst v45  }
0x145: {  	v51 =	vld [tilespmem:s22+$0x5360];
	[tilespmem:s22+$0x192B0] =	vst v46  }
0x146: {  	v52 =	vld [tilespmem:s22+$0x5370];
	[tilespmem:s22+$0x192C0] =	vst v47  }
0x147: {  	v53 =	vld [tilespmem:s22+$0x5700];
	[tilespmem:s22+$0xF330] =	vst v48  }
0x148: {  	v54 =	vld [tilespmem:s22+$0x5710];
	[tilespmem:s22+$0xF340] =	vst v49  }
0x149: {  	[tilespmem:s22+$0xF350] =	vst v50  }
0x14a: {  	[tilespmem:s22+$0xF360] =	vst v51  }
0x14b: {  	[tilespmem:s22+$0xF370] =	vst v52  }
0x14c: {  	[tilespmem:s22+$0xF700] =	vst v53  }
0x14d: {  	v55 =	vld [tilespmem:s22+$0x5720];
	[tilespmem:s22+$0xF710] =	vst v54  }
0x14e: {  	v18 =	vld [tilespmem:s22+$0x5750];
	[tilespmem:s22+$0x19300] =	vst v51  }
0x14f: {  	v19 =	vld [tilespmem:s22+$0x5760];
	[tilespmem:s22+$0x19310] =	vst v52  }
0x150: {  	v0 =	vld [tilespmem:s22+$0x5060];
	[tilespmem:s22+$0x19320] =	vst v53  }
0x151: {  	v1 =	vld [tilespmem:s22+$0x5070];
	[tilespmem:s22+$0x19330] =	vst v54  }
0x152: {  	v2 =	vld [tilespmem:s22+$0x5400];
	[tilespmem:s22+$0x19340] =	vst v55  }
0x153: {  	v3 =	vld [tilespmem:s22+$0x5410];
	[tilespmem:s22+$0x19370] =	vst v18  }
0x154: {  	[tilespmem:s22+$0x19700] =	vst v19  }
0x155: {  	[tilespmem:s22+$0xF060] =	vst v0  }
0x156: {  	[tilespmem:s22+$0xF070] =	vst v1  }
0x157: {  	[tilespmem:s22+$0xF400] =	vst v2  }
0x158: {  	v4 =	vld [tilespmem:s22+$0x5420];
	[tilespmem:s22+$0xF410] =	vst v3  }
0x159: {  	v5 =	vld [tilespmem:s22+$0x5430];
	[tilespmem:s22+$0x19000] =	vst v0  }
0x15a: {  	v6 =	vld [tilespmem:s22+$0x54E0];
	[tilespmem:s22+$0x19010] =	vst v1  }
0x15b: {  	v7 =	vld [tilespmem:s22+$0x54F0];
	[tilespmem:s22+$0x19020] =	vst v2  }
0x15c: {  	v56 =	vld [tilespmem:s22+$0x5730];
	[tilespmem:s22+$0x19030] =	vst v3  }
0x15d: {  	v57 =	vld [tilespmem:s22+$0x5740];
	[tilespmem:s22+$0x19040] =	vst v4  }
0x15e: {  	v20 =	vld [tilespmem:s22+$0x5770];
	[tilespmem:s22+$0x19050] =	vst v5  }
0x15f: {  	v58 =	vld [tilespmem:s22+$0x53A0];
	[tilespmem:s22+$0x19480] =	vst v6  }
0x160: {  	v59 =	vld [tilespmem:s22+$0x53B0];
	[tilespmem:s22+$0x19490] =	vst v7  }
0x161: {  	v60 =	vld [tilespmem:s22+$0x53C0];
	[tilespmem:s22+$0x19350] =	vst v56  }
0x162: {  	v21 =	vld [tilespmem:s22+$0x53D0];
	[tilespmem:s22+$0x19360] =	vst v57  }
0x163: {  	v61 =	vld [tilespmem:s22+$0x53E0];
	[tilespmem:s22+$0x19710] =	vst v20  }
0x164: {  	v62 =	vld [tilespmem:s22+$0x53F0];
	[tilespmem:s22+$0xF3A0] =	vst v58  }
0x165: {  	v63 =	vld [tilespmem:s22+$0x5780];
	[tilespmem:s22+$0xF3B0] =	vst v59  }
0x166: {  	[tilespmem:s22+$0xF3C0] =	vst v60  }
0x167: {  	[tilespmem:s22+$0xF3D0] =	vst v21  }
0x168: {  	[tilespmem:s22+$0xF3E0] =	vst v61  }
0x169: {  	v0 =	vld [tilespmem:s22+$0x5480];
	[tilespmem:s22+$0xF3F0] =	vst v62  }
0x16a: {  	v1 =	vld [tilespmem:s22+$0x5490];
	[tilespmem:s22+$0xF780] =	vst v63  }
0x16b: {  	[tilespmem:s22+$0x19380] =	vst v61  }
0x16c: {  	[tilespmem:s22+$0x19390] =	vst v62  }
0x16d: {  	v2 =	vld [tilespmem:s22+$0x54A0];
	[tilespmem:s22+$0x193A0] =	vst v63  }
0x16e: {  	v3 =	vld [tilespmem:s22+$0x54B0];
	[tilespmem:s22+$0xF480] =	vst v0  }
0x16f: {  	v4 =	vld [tilespmem:s22+$0x54C0];
	[tilespmem:s22+$0xF490] =	vst v1  }
0x170: {  	v5 =	vld [tilespmem:s22+$0x54D0];
	[tilespmem:s22+$0x190A0] =	vst v0  }
0x171: {  	v6 =	vld [tilespmem:s22+$0x5560];
	[tilespmem:s22+$0x190B0] =	vst v1  }
0x172: {  	v7 =	vld [tilespmem:s22+$0x5570];
	[tilespmem:s22+$0x190C0] =	vst v2  }
0x173: {  	v0 =	vld [tilespmem:s22+$0x5500];
	[tilespmem:s22+$0x190D0] =	vst v3  }
0x174: {  	v1 =	vld [tilespmem:s22+$0x5510];
	[tilespmem:s22+$0x190E0] =	vst v4  }
0x175: {  	[tilespmem:s22+$0x190F0] =	vst v5  }
0x176: {  	[tilespmem:s22+$0x19500] =	vst v6  }
0x177: {  	v2 =	vld [tilespmem:s22+$0x5520];
	[tilespmem:s22+$0x19510] =	vst v7  }
0x178: {  	v3 =	vld [tilespmem:s22+$0x5530];
	[tilespmem:s22+$0xF500] =	vst v0  }
0x179: {  	v4 =	vld [tilespmem:s22+$0x5540];
	[tilespmem:s22+$0xF510] =	vst v1  }
0x17a: {  	v5 =	vld [tilespmem:s22+$0x5550];
	[tilespmem:s22+$0x19120] =	vst v0  }
0x17b: {  	v6 =	vld [tilespmem:s22+$0x55F0];
	[tilespmem:s22+$0x19130] =	vst v1  }
0x17c: {  	v7 =	vld [tilespmem:s22+$0x5200];
	[tilespmem:s22+$0x19140] =	vst v2  }
0x17d: {  	v0 =	vld [tilespmem:s22+$0x5590];
	[tilespmem:s22+$0x19150] =	vst v3  }
0x17e: {  	[tilespmem:s22+$0x19160] =	vst v4  }
0x17f: {  	v1 =	vld [tilespmem:s22+$0x55A0];
	[tilespmem:s22+$0x19170] =	vst v5  }
0x180: {  	v2 =	vld [tilespmem:s22+$0x55B0];
	[tilespmem:s22+$0x19590] =	vst v6  }
0x181: {  	v3 =	vld [tilespmem:s22+$0x55C0];
	[tilespmem:s22+$0xF200] =	vst v7  }
0x182: {  	v4 =	vld [tilespmem:s22+$0x55D0];
	[tilespmem:s22+$0xF590] =	vst v0  }
0x183: {  	v5 =	vld [tilespmem:s22+$0x55E0];
	[tilespmem:s22+$0x191B0] =	vst v0  }
0x184: {  	v6 =	vld [tilespmem:s22+$0x5280];
	[tilespmem:s22+$0x191C0] =	vst v1  }
0x185: {  	v7 =	vld [tilespmem:s22+$0x5290];
	[tilespmem:s22+$0x191D0] =	vst v2  }
0x186: {  	v0 =	vld [tilespmem:s22+$0x5620];
	[tilespmem:s22+$0x191E0] =	vst v3  }
0x187: {  	v1 =	vld [tilespmem:s22+$0x5630];
	[tilespmem:s22+$0x191F0] =	vst v4  }
0x188: {  	v2 =	vld [tilespmem:s22+$0x5640];
	[tilespmem:s22+$0x19580] =	vst v5  }
0x189: {  	v3 =	vld [tilespmem:s22+$0x5650];
	[tilespmem:s22+$0xF280] =	vst v6  }
0x18a: {  	v4 =	vld [tilespmem:s22+$0x5660];
	[tilespmem:s22+$0xF290] =	vst v7  }
0x18b: {  	v5 =	vld [tilespmem:s22+$0x5670];
	[tilespmem:s22+$0x19240] =	vst v0  }
0x18c: {  	v6 =	vld [tilespmem:s22+$0x5310];
	[tilespmem:s22+$0x19250] =	vst v1  }
0x18d: {  	v7 =	vld [tilespmem:s22+$0x5320];
	[tilespmem:s22+$0x19260] =	vst v2  }
0x18e: {  	v0 =	vld [tilespmem:s22+$0x56B0];
	[tilespmem:s22+$0x19270] =	vst v3  }
0x18f: {  	v1 =	vld [tilespmem:s22+$0x56C0];
	[tilespmem:s22+$0x19600] =	vst v4  }
0x190: {  	v2 =	vld [tilespmem:s22+$0x56D0];
	[tilespmem:s22+$0x19610] =	vst v5  }
0x191: {  	v3 =	vld [tilespmem:s22+$0x56E0];
	[tilespmem:s22+$0xF310] =	vst v6  }
0x192: {  	v4 =	vld [tilespmem:s22+$0x56F0];
	[tilespmem:s22+$0xF320] =	vst v7  }
0x193: {  	v5 =	vld [tilespmem:s22+$0x5300];
	[tilespmem:s22+$0x192D0] =	vst v0  }
0x194: {  	v6 =	vld [tilespmem:s22+$0x5380];
	[tilespmem:s22+$0x192E0] =	vst v1  }
0x195: {  	v7 =	vld [tilespmem:s22+$0x5390];
	[tilespmem:s22+$0x192F0] =	vst v2  }
0x196: {  	[tilespmem:s22+$0x19680] =	vst v3;
	v0 =	vld [tilespmem:s22+$0x5790]  }
0x197: {  	[tilespmem:s22+$0x19690] =	vst v4;
	v1 =	vld [tilespmem:s22+$0x57A0]  }
0x198: {  	[tilespmem:s22+$0xF300] =	vst v5;
	v2 =	vld [tilespmem:s22+$0x57B0]  }
0x199: {  	v3 =	vld [tilespmem:s22+$0x57C0];
	[tilespmem:s22+$0xF380] =	vst v6  }
0x19a: {  	v4 =	vld [tilespmem:s22+$0x57D0];
	[tilespmem:s22+$0xF390] =	vst v7  }
0x19b: {  	s23 =	simm.s32 $0x8;
	v5 =	vld [tilespmem:s22+$0x57E0];
	[tilespmem:s22+$0xF790] =	vst v0  }
.LBB2_6:
0x19c: {  	s24 =	sshll.u32 s23, $0x8;
	p1 =	slt.u32 s23, $0x48;
	[tilespmem:s22+$0x193B0] =	vst v0  }
0x19d: {  	v0 =	vld [tilespmem:s24+$0x57F0];
	[tilespmem:s22+$0x193C0] =	vst v1  }
0x19e: {  	v1 =	vld [tilespmem:s24+$0x5000];
	[tilespmem:s22+$0x193D0] =	vst v2  }
0x19f: {  	v2 =	vld [tilespmem:s24+$0x5010];
	[tilespmem:s22+$0x193E0] =	vst v3  }
0x1a0: {  	v3 =	vld [tilespmem:s24+$0x5020];
	[tilespmem:s22+$0x193F0] =	vst v4  }
0x1a1: {  	v4 =	vld [tilespmem:s24+$0x5030];
	[tilespmem:s22+$0x19780] =	vst v5;
	s22 =	smov.u32 s24  }
0x1a2: {  	v5 =	vld [tilespmem:s22+$0x5040];
	[tilespmem:s22+$0x19790] =	vst v0  }
0x1a3: {  	v0 =	vld [tilespmem:s22+$0x5050];
	[tilespmem:s22+$0xF000] =	vst v1  }
0x1a4: {  	v1 =	vld [tilespmem:s22+$0x5060];
	[tilespmem:s22+$0xF010] =	vst v2  }
0x1a5: {  	v2 =	vld [tilespmem:s22+$0x5070];
	[tilespmem:s22+$0xF020] =	vst v3  }
0x1a6: {  	v3 =	vld [tilespmem:s22+$0x5400];
	[tilespmem:s22+$0xF030] =	vst v4  }
0x1a7: {  	v4 =	vld [tilespmem:s22+$0x5410];
	[tilespmem:s22+$0xF040] =	vst v5  }
0x1a8: {  	v5 =	vld [tilespmem:s22+$0x5420];
	[tilespmem:s22+$0xF050] =	vst v0  }
0x1a9: {  	v0 =	vld [tilespmem:s22+$0x5430];
	[tilespmem:s22+$0xF060] =	vst v1  }
0x1aa: {  	v6 =	vld [tilespmem:s22+$0x5440];
	[tilespmem:s22+$0xF070] =	vst v2  }
0x1ab: {  	v7 =	vld [tilespmem:s22+$0x5450];
	[tilespmem:s22+$0xF400] =	vst v3  }
0x1ac: {  	v8 =	vld [tilespmem:s22+$0x5460];
	[tilespmem:s22+$0xF410] =	vst v4  }
0x1ad: {  	v9 =	vld [tilespmem:s22+$0x5470];
	[tilespmem:s22+$0x19000] =	vst v1  }
0x1ae: {  	[tilespmem:s22+$0x19010] =	vst v2;
	v1 =	vld [tilespmem:s22+$0x5080]  }
0x1af: {  	[tilespmem:s22+$0x19020] =	vst v3;
	v2 =	vld [tilespmem:s22+$0x5090]  }
0x1b0: {  	[tilespmem:s22+$0x19030] =	vst v4;
	v3 =	vld [tilespmem:s22+$0x50A0]  }
0x1b1: {  	[tilespmem:s22+$0x19040] =	vst v5;
	v4 =	vld [tilespmem:s22+$0x50B0]  }
0x1b2: {  	[tilespmem:s22+$0x19050] =	vst v0;
	v0 =	vld [tilespmem:s22+$0x50C0]  }
0x1b3: {  	[tilespmem:s22+$0x19060] =	vst v6;
	v5 =	vld [tilespmem:s22+$0x50D0]  }
0x1b4: {  	[tilespmem:s22+$0x19070] =	vst v7;
	v6 =	vld [tilespmem:s22+$0x50E0]  }
0x1b5: {  	[tilespmem:s22+$0x19400] =	vst v8;
	v7 =	vld [tilespmem:s22+$0x50F0]  }
0x1b6: {  	[tilespmem:s22+$0x19410] =	vst v9;
	v8 =	vld [tilespmem:s22+$0x5480]  }
0x1b7: {  	v9 =	vld [tilespmem:s22+$0x5490];
	[tilespmem:s22+$0xF080] =	vst v1  }
0x1b8: {  	v1 =	vld [tilespmem:s22+$0x54A0];
	[tilespmem:s22+$0xF090] =	vst v2  }
0x1b9: {  	v2 =	vld [tilespmem:s22+$0x54B0];
	[tilespmem:s22+$0xF0A0] =	vst v3  }
0x1ba: {  	v3 =	vld [tilespmem:s22+$0x54C0];
	[tilespmem:s22+$0xF0B0] =	vst v4  }
0x1bb: {  	v4 =	vld [tilespmem:s22+$0x54D0];
	[tilespmem:s22+$0xF0C0] =	vst v0  }
0x1bc: {  	v0 =	vld [tilespmem:s22+$0x54E0];
	[tilespmem:s22+$0xF0D0] =	vst v5  }
0x1bd: {  	v5 =	vld [tilespmem:s22+$0x54F0];
	[tilespmem:s22+$0xF0E0] =	vst v6  }
0x1be: {  	[tilespmem:s22+$0xF0F0] =	vst v7;
	v10 =	vld [tilespmem:s22+$0x5100]  }
0x1bf: {  	[tilespmem:s22+$0xF480] =	vst v8;
	v11 =	vld [tilespmem:s22+$0x5110]  }
0x1c0: {  	[tilespmem:s22+$0xF490] =	vst v9;
	v12 =	vld [tilespmem:s22+$0x5120]  }
0x1c1: {  	[tilespmem:s22+$0x19080] =	vst v6;
	v6 =	vld [tilespmem:s22+$0x5130]  }
0x1c2: {  	[tilespmem:s22+$0x19090] =	vst v7;
	v7 =	vld [tilespmem:s22+$0x5140]  }
0x1c3: {  	[tilespmem:s22+$0x190A0] =	vst v8;
	v8 =	vld [tilespmem:s22+$0x5150]  }
0x1c4: {  	[tilespmem:s22+$0x190B0] =	vst v9;
	v9 =	vld [tilespmem:s22+$0x5160]  }
0x1c5: {  	[tilespmem:s22+$0x190C0] =	vst v1;
	v1 =	vld [tilespmem:s22+$0x5170]  }
0x1c6: {  	[tilespmem:s22+$0x190D0] =	vst v2;
	v2 =	vld [tilespmem:s22+$0x5500]  }
0x1c7: {  	[tilespmem:s22+$0x190E0] =	vst v3;
	v3 =	vld [tilespmem:s22+$0x5510]  }
0x1c8: {  	[tilespmem:s22+$0x190F0] =	vst v4;
	v4 =	vld [tilespmem:s22+$0x5520]  }
0x1c9: {  	[tilespmem:s22+$0x19480] =	vst v0;
	v0 =	vld [tilespmem:s22+$0x5530]  }
0x1ca: {  	[tilespmem:s22+$0x19490] =	vst v5;
	v5 =	vld [tilespmem:s22+$0x5540]  }
0x1cb: {  	v13 =	vld [tilespmem:s22+$0x5550];
	[tilespmem:s22+$0xF100] =	vst v10  }
0x1cc: {  	v10 =	vld [tilespmem:s22+$0x5560];
	[tilespmem:s22+$0xF110] =	vst v11  }
0x1cd: {  	v11 =	vld [tilespmem:s22+$0x5570];
	[tilespmem:s22+$0xF120] =	vst v12  }
0x1ce: {  	[tilespmem:s22+$0xF130] =	vst v6;
	v6 =	vld [tilespmem:s22+$0x5180]  }
0x1cf: {  	[tilespmem:s22+$0xF140] =	vst v7;
	v7 =	vld [tilespmem:s22+$0x5190]  }
0x1d0: {  	[tilespmem:s22+$0xF150] =	vst v8;
	v8 =	vld [tilespmem:s22+$0x51A0]  }
0x1d1: {  	[tilespmem:s22+$0xF160] =	vst v9;
	v12 =	vld [tilespmem:s22+$0x51B0]  }
0x1d2: {  	[tilespmem:s22+$0xF170] =	vst v1;
	v14 =	vld [tilespmem:s22+$0x51C0]  }
0x1d3: {  	[tilespmem:s22+$0xF500] =	vst v2;
	v15 =	vld [tilespmem:s22+$0x51D0]  }
0x1d4: {  	[tilespmem:s22+$0xF510] =	vst v3;
	v16 =	vld [tilespmem:s22+$0x51E0]  }
0x1d5: {  	[tilespmem:s22+$0x19100] =	vst v9;
	v9 =	vld [tilespmem:s22+$0x51F0]  }
0x1d6: {  	[tilespmem:s22+$0x19110] =	vst v1;
	v1 =	vld [tilespmem:s22+$0x5580]  }
0x1d7: {  	[tilespmem:s22+$0x19120] =	vst v2;
	v2 =	vld [tilespmem:s22+$0x5590]  }
0x1d8: {  	[tilespmem:s22+$0x19130] =	vst v3;
	v3 =	vld [tilespmem:s22+$0x55A0]  }
0x1d9: {  	[tilespmem:s22+$0x19140] =	vst v4;
	v4 =	vld [tilespmem:s22+$0x55B0]  }
0x1da: {  	[tilespmem:s22+$0x19150] =	vst v0;
	v0 =	vld [tilespmem:s22+$0x55C0]  }
0x1db: {  	[tilespmem:s22+$0x19160] =	vst v5;
	v5 =	vld [tilespmem:s22+$0x55D0]  }
0x1dc: {  	[tilespmem:s22+$0x19170] =	vst v13;
	v13 =	vld [tilespmem:s22+$0x55E0]  }
0x1dd: {  	[tilespmem:s22+$0x19500] =	vst v10;
	v10 =	vld [tilespmem:s22+$0x55F0]  }
0x1de: {  	[tilespmem:s22+$0x19510] =	vst v11;
	v11 =	vld [tilespmem:s22+$0x5200]  }
0x1df: {  	[tilespmem:s22+$0xF180] =	vst v6;
	v6 =	vld [tilespmem:s22+$0x5210]  }
0x1e0: {  	[tilespmem:s22+$0xF190] =	vst v7;
	v7 =	vld [tilespmem:s22+$0x5220]  }
0x1e1: {  	[tilespmem:s22+$0xF1A0] =	vst v8;
	v8 =	vld [tilespmem:s22+$0x5230]  }
0x1e2: {  	[tilespmem:s22+$0xF1B0] =	vst v12;
	v12 =	vld [tilespmem:s22+$0x5240]  }
0x1e3: {  	[tilespmem:s22+$0xF1C0] =	vst v14;
	v14 =	vld [tilespmem:s22+$0x5250]  }
0x1e4: {  	[tilespmem:s22+$0xF1D0] =	vst v15;
	v15 =	vld [tilespmem:s22+$0x5260]  }
0x1e5: {  	[tilespmem:s22+$0xF1E0] =	vst v16;
	v17 =	vld [tilespmem:s22+$0x5270]  }
0x1e6: {  	[tilespmem:s22+$0xF1F0] =	vst v9;
	v18 =	vld [tilespmem:s22+$0x5600]  }
0x1e7: {  	[tilespmem:s22+$0xF580] =	vst v1;
	v19 =	vld [tilespmem:s22+$0x5610]  }
0x1e8: {  	[tilespmem:s22+$0xF590] =	vst v2;
	v20 =	vld [tilespmem:s22+$0x5620]  }
0x1e9: {  	[tilespmem:s22+$0x19180] =	vst v16;
	v16 =	vld [tilespmem:s22+$0x5630]  }
0x1ea: {  	[tilespmem:s22+$0x19190] =	vst v9;
	v9 =	vld [tilespmem:s22+$0x5640]  }
0x1eb: {  	[tilespmem:s22+$0x191A0] =	vst v1;
	v1 =	vld [tilespmem:s22+$0x5650]  }
0x1ec: {  	[tilespmem:s22+$0x191B0] =	vst v2;
	v2 =	vld [tilespmem:s22+$0x5660]  }
0x1ed: {  	[tilespmem:s22+$0x191C0] =	vst v3;
	v3 =	vld [tilespmem:s22+$0x5670]  }
0x1ee: {  	[tilespmem:s22+$0x191D0] =	vst v4;
	v4 =	vld [tilespmem:s22+$0x5280]  }
0x1ef: {  	[tilespmem:s22+$0x191E0] =	vst v0;
	v0 =	vld [tilespmem:s22+$0x5290]  }
0x1f0: {  	[tilespmem:s22+$0x191F0] =	vst v5;
	v5 =	vld [tilespmem:s22+$0x52A0]  }
0x1f1: {  	[tilespmem:s22+$0x19580] =	vst v13;
	v13 =	vld [tilespmem:s22+$0x52B0]  }
0x1f2: {  	[tilespmem:s22+$0x19590] =	vst v10;
	v10 =	vld [tilespmem:s22+$0x52C0]  }
0x1f3: {  	[tilespmem:s22+$0xF200] =	vst v11;
	v11 =	vld [tilespmem:s22+$0x52D0]  }
0x1f4: {  	[tilespmem:s22+$0xF210] =	vst v6;
	v6 =	vld [tilespmem:s22+$0x52E0]  }
0x1f5: {  	[tilespmem:s22+$0xF220] =	vst v7;
	v7 =	vld [tilespmem:s22+$0x52F0]  }
0x1f6: {  	[tilespmem:s22+$0xF230] =	vst v8;
	v8 =	vld [tilespmem:s22+$0x5680]  }
0x1f7: {  	[tilespmem:s22+$0xF240] =	vst v12;
	v12 =	vld [tilespmem:s22+$0x5690]  }
0x1f8: {  	[tilespmem:s22+$0xF250] =	vst v14;
	v14 =	vld [tilespmem:s22+$0x56A0]  }
0x1f9: {  	[tilespmem:s22+$0xF260] =	vst v15;
	v21 =	vld [tilespmem:s22+$0x56B0]  }
0x1fa: {  	[tilespmem:s22+$0xF270] =	vst v17;
	v22 =	vld [tilespmem:s22+$0x56C0]  }
0x1fb: {  	[tilespmem:s22+$0xF600] =	vst v18;
	v23 =	vld [tilespmem:s22+$0x56D0]  }
0x1fc: {  	[tilespmem:s22+$0xF610] =	vst v19;
	v24 =	vld [tilespmem:s22+$0x56E0]  }
0x1fd: {  	[tilespmem:s22+$0x19200] =	vst v15;
	v15 =	vld [tilespmem:s22+$0x56F0]  }
0x1fe: {  	[tilespmem:s22+$0x19210] =	vst v17;
	v17 =	vld [tilespmem:s22+$0x5300]  }
0x1ff: {  	[tilespmem:s22+$0x19220] =	vst v18;
	v18 =	vld [tilespmem:s22+$0x5310]  }
0x200: {  	[tilespmem:s22+$0x19230] =	vst v19;
	v19 =	vld [tilespmem:s22+$0x5320]  }
0x201: {  	[tilespmem:s22+$0x19240] =	vst v20;
	v20 =	vld [tilespmem:s22+$0x5330]  }
0x202: {  	[tilespmem:s22+$0x19250] =	vst v16;
	v16 =	vld [tilespmem:s22+$0x5340]  }
0x203: {  	[tilespmem:s22+$0x19260] =	vst v9;
	v9 =	vld [tilespmem:s22+$0x5350]  }
0x204: {  	[tilespmem:s22+$0x19270] =	vst v1;
	v25 =	vld [tilespmem:s22+$0x5360]  }
0x205: {  	[tilespmem:s22+$0x19600] =	vst v2;
	v26 =	vld [tilespmem:s22+$0x5370]  }
0x206: {  	[tilespmem:s22+$0x19610] =	vst v3;
	v27 =	vld [tilespmem:s22+$0x5700]  }
0x207: {  	[tilespmem:s22+$0xF280] =	vst v4;
	v28 =	vld [tilespmem:s22+$0x5710]  }
0x208: {  	[tilespmem:s22+$0xF290] =	vst v0;
	v29 =	vld [tilespmem:s22+$0x5720]  }
0x209: {  	[tilespmem:s22+$0xF2A0] =	vst v5;
	v30 =	vld [tilespmem:s22+$0x5730]  }
0x20a: {  	[tilespmem:s22+$0xF2B0] =	vst v13;
	v13 =	vld [tilespmem:s22+$0x5740]  }
0x20b: {  	[tilespmem:s22+$0xF2C0] =	vst v10;
	v10 =	vld [tilespmem:s22+$0x5750]  }
0x20c: {  	[tilespmem:s22+$0xF2D0] =	vst v11;
	v11 =	vld [tilespmem:s22+$0x5760]  }
0x20d: {  	[tilespmem:s22+$0xF2E0] =	vst v6;
	v31 =	vld [tilespmem:s22+$0x5770]  }
0x20e: {  	[tilespmem:s22+$0xF2F0] =	vst v7;
	v32 =	vld [tilespmem:s22+$0x5380]  }
0x20f: {  	[tilespmem:s22+$0xF680] =	vst v8;
	v33 =	vld [tilespmem:s22+$0x5390]  }
0x210: {  	[tilespmem:s22+$0xF690] =	vst v12;
	v34 =	vld [tilespmem:s22+$0x53A0]  }
0x211: {  	[tilespmem:s22+$0x19280] =	vst v6;
	v6 =	vld [tilespmem:s22+$0x53B0]  }
0x212: {  	[tilespmem:s22+$0x19290] =	vst v7;
	v7 =	vld [tilespmem:s22+$0x53C0]  }
0x213: {  	[tilespmem:s22+$0x192A0] =	vst v8;
	v8 =	vld [tilespmem:s22+$0x53D0]  }
0x214: {  	[tilespmem:s22+$0x192B0] =	vst v12;
	v12 =	vld [tilespmem:s22+$0x53E0]  }
0x215: {  	[tilespmem:s22+$0x192C0] =	vst v14;
	v14 =	vld [tilespmem:s22+$0x53F0]  }
0x216: {  	[tilespmem:s22+$0x192D0] =	vst v21;
	v21 =	vld [tilespmem:s22+$0x5780]  }
0x217: {  	[tilespmem:s22+$0x192E0] =	vst v22;
	v0 =	vld [tilespmem:s22+$0x5790]  }
0x218: {  	[tilespmem:s22+$0x192F0] =	vst v23;
	v1 =	vld [tilespmem:s22+$0x57A0]  }
0x219: {  	[tilespmem:s22+$0x19680] =	vst v24;
	v2 =	vld [tilespmem:s22+$0x57B0]  }
0x21a: {  	[tilespmem:s22+$0x19690] =	vst v15;
	v3 =	vld [tilespmem:s22+$0x57C0]  }
0x21b: {  	[tilespmem:s22+$0xF300] =	vst v17;
	v4 =	vld [tilespmem:s22+$0x57D0]  }
0x21c: {  	[tilespmem:s22+$0xF310] =	vst v18;
	v5 =	vld [tilespmem:s22+$0x57E0]  }
0x21d: {  	[tilespmem:s22+$0xF320] =	vst v19  }
0x21e: {  	[tilespmem:s22+$0xF330] =	vst v20  }
0x21f: {  	[tilespmem:s22+$0xF340] =	vst v16  }
0x220: {  	[tilespmem:s22+$0xF350] =	vst v9  }
0x221: {  	[tilespmem:s22+$0xF360] =	vst v25  }
0x222: {  	[tilespmem:s22+$0xF370] =	vst v26  }
0x223: {  	[tilespmem:s22+$0xF700] =	vst v27  }
0x224: {  	[tilespmem:s22+$0xF710] =	vst v28  }
0x225: {  	[tilespmem:s22+$0x19300] =	vst v25  }
0x226: {  	[tilespmem:s22+$0x19310] =	vst v26  }
0x227: {  	[tilespmem:s22+$0x19320] =	vst v27  }
0x228: {  	[tilespmem:s22+$0x19330] =	vst v28  }
0x229: {  	[tilespmem:s22+$0x19340] =	vst v29  }
0x22a: {  	[tilespmem:s22+$0x19350] =	vst v30  }
0x22b: {  	[tilespmem:s22+$0x19360] =	vst v13  }
0x22c: {  	[tilespmem:s22+$0x19370] =	vst v10  }
0x22d: {  	[tilespmem:s22+$0x19700] =	vst v11  }
0x22e: {  	[tilespmem:s22+$0x19710] =	vst v31  }
0x22f: {  	[tilespmem:s22+$0xF380] =	vst v32  }
0x230: {  	[tilespmem:s22+$0xF390] =	vst v33  }
0x231: {  	[tilespmem:s22+$0xF3A0] =	vst v34  }
0x232: {  	[tilespmem:s22+$0xF3B0] =	vst v6  }
0x233: {  	[tilespmem:s22+$0xF3C0] =	vst v7  }
0x234: {  	[tilespmem:s22+$0xF3D0] =	vst v8  }
0x235: {  	[tilespmem:s22+$0xF3E0] =	vst v12  }
0x236: {  	[tilespmem:s22+$0xF3F0] =	vst v14  }
.Ltmp6:
0x237: {  	[tilespmem:s22+$0xF780] =	vst v21;
	(pc) =	sbr.rel @p1 .LBB2_6-.Ltmp6, $4  }
0x238: {  	[tilespmem:s22+$0xF790] =	vst v0  }
0x239: {  	[tilespmem:s22+$0x19380] =	vst v12  }
0x23a: {  	[tilespmem:s22+$0x19390] =	vst v14  }
0x23b: {  	s23 =	sadd.s32 $0x8, s23;
	[tilespmem:s22+$0x193A0] =	vst v21  }
0x23c: {  	[tilespmem:s22+$0x193B0] =	vst v0  }
0x23d: {  	[tilespmem:s22+$0x193C0] =	vst v1  }
0x23e: {  	[tilespmem:s22+$0x193D0] =	vst v2  }
0x23f: {  	[tilespmem:s22+$0x193E0] =	vst v3;
	s21 =	smul.u32 $0xA00, s21  }
.Ltmp7:
0x240: {  	[tilespmem:s22+$0x193F0] =	vst v4;
	(pc) =	sbr.rel .LBB2_8-.Ltmp7, $4  }
0x241: {  	[tilespmem:s22+$0x19780] =	vst v5;
	s31 =	sadd.s32 s4, s21  }
0x242: {  	[hbm4b:s31+s2] =	stream.linear.scatter [tilespmem:s15], [sflag:$0x4], $0x5000, $0x38;
	[tilespmem:$0x1E000] =	vst v63  }
0x243: {  	s21 =	sadd.s32 s5, s21  }
0x244: {  	[hbm4b:s21+s2] =	stream.linear.scatter [tilespmem:s16], [sflag:$0x4], $0x5000, $0x38;
	[tilespmem:$0x1E000] =	vst v63  }
.LBB2_10:
0x245: {  	_ =	sfence.sel $0x180000  }
0x246: {  	[bflag:$0x0] =	sbarrier.arrive $0xFFFF  }
0x247: {  	_ =	strace $0x90000047  }
0x248: {  	s0 =	sadd.s32 @!p0 $0x100000, s1;
	[bflag:$0x2] =	sbarrier.arrive $0xFFFF  }
0x249: {  	[sflag:s0] =	ssyncadd.tile.s32 @!p0 $0x1;
	_ =	shalt  }
.Lfunc_end2:
_tile_overlayer_lowered:
.L_overlay_start_2:
0x24a: {  	(tag) =	ssettag $0x2  }
0x24b: {  	s0 =	rddreg [dreg:$0x0];
	s2 =	stileid.u32  }
0x24c: {  	s1 =	rddreg [dreg:$0x1];
	p0 =	sne.s32 s2, $0x0  }
0x24d: {  	s3 =	rddreg [dreg:$0x2];
	[bflag:$0x3] =	sbarrier.arrive $0xFFFF;
	s2 =	simm.s32 @!p0 $0x1C05  }
0x24e: {  	[timem:s3], [sflag:s2] =	dma.local @!p0 [hbm:s0], s1  }
0x24f: {  	s0 =	simm.s32 @!p0 $0x5  }
0x250: {  	_ =	swait.ge @!p0 [sflag:s0], s1  }
0x251: {  	s1 =	ssub.s32 @!p0 $0x0, s1;
	[sflag:s0] =	ssyncset.done @!p0 $0x0  }
0x252: {  	[sflag:s0] =	ssyncadd.s32 @!p0 s1  }
0x253: {  	[bflag:$0x3] =	sbarrier.arrive $0xFFFF  }
0x254: {  	_ =	shalt  }

</sc_bundles>
